<compile_context>
chip_gen: v7x
topology: tpu7x:2x2x1
jax: 0.10.2.dev20260603
libtpu: 0.0.44.dev20260713+nightly
codegen_flags: <defaults>
</compile_context>

<pallas_src>
import jax
import jax.numpy as jnp
from jax import lax
from jax.experimental import pallas as pl
from jax.experimental.pallas import tpu as pltpu
from jax.experimental.pallas import tpu_sc as plsc

_N = 10000
_E = 160000
_D = 256
_DH = 128
_L = 6
_N_PAD = 10240
_E_PAD = 163840
_H = 256
_EPT = _E_PAD // 16
_CH = 256
_RPT = _N_PAD // 16


def _seg_mesh():
  return plsc.VectorSubcoreMesh(core_axis_name="c", subcore_axis_name="s")


def _sc_deg_body(dst_hbm, out_hbm, hist, ebuf, rbuf, obuf, stage):
  c = lax.axis_index("c")
  sid = lax.axis_index("s")
  zeros16 = jnp.zeros((16,), jnp.float32)
  ones16 = jnp.ones((16,), jnp.float32)

  @pl.when(c == 0)
  def _():
    def zloop(i, _):
      hist[pl.ds(i * 16, 16)] = zeros16
      return ()
    lax.fori_loop(0, _N_PAD // 16, zloop, ())

    n_load = _EPT // 2048
    def chunk(k, _):
      pltpu.sync_copy(dst_hbm.at[pl.ds(sid * (_EPT // 128) + k * 16, 16)],
                      ebuf)
      def grp(g, _):
        idx = ebuf[g // 8, pl.ds((g % 8) * 16, 16)]
        plsc.addupdate_scatter(hist, [idx], ones16)
        return ()
      lax.fori_loop(0, 128, grp, ())
      return ()
    lax.fori_loop(0, n_load, chunk, ())

    pltpu.sync_copy(hist, stage.at[sid])
    plsc.subcore_barrier()

    base = sid * _RPT
    for r in range(16):
      pltpu.sync_copy(stage.at[r, pl.ds(base, _RPT)], rbuf.at[r])

    def rloop(g, _):
      v = rbuf[0, pl.ds(g * 16, 16)]
      for r in range(1, 16):
        v = v + rbuf[r, pl.ds(g * 16, 16)]
      obuf[pl.ds(g * 16, 16)] = jnp.maximum(v, 1.0)
      return ()
    lax.fori_loop(0, _RPT // 16, rloop, ())
    pltpu.sync_copy(obuf, out_hbm.at[pl.ds(base, _RPT)])


@jax.jit
def _sc_deg(dst2d):
  return pl.kernel(
      _sc_deg_body,
      out_type=jax.ShapeDtypeStruct((_N_PAD,), jnp.float32),
      mesh=_seg_mesh(),
      compiler_params=pltpu.CompilerParams(needs_layout_passes=False),
      scratch_types=[
          pltpu.VMEM((_N_PAD,), jnp.float32),
          pltpu.VMEM((16, 128), jnp.int32),
          pltpu.VMEM((16, _RPT), jnp.float32),
          pltpu.VMEM((_RPT,), jnp.float32),
          pltpu.VMEM_SHARED((16, _N_PAD), jnp.float32),
      ],
  )(dst2d)


def _sc_segsum_body(t0_hbm, t1_hbm, src_hbm, dst_hbm, s0_hbm, s1_hbm,
                    acc, rows, sidx, didx, sem):
  c = lax.axis_index("c")
  sid = lax.axis_index("s")
  zeros16 = jnp.zeros((16,), jnp.float32)

  def zloop(i, _):
    for j in range(8):
      rows[i, pl.ds(j * 16, 16)] = zeros16
    return ()
  lax.fori_loop(0, _CH, zloop, ())
  pltpu.sync_copy(rows, acc.at[pl.ds(sid * _RPT, _CH)])
  pltpu.sync_copy(rows, acc.at[pl.ds(sid * _RPT + _CH, _CH)])
  pltpu.sync_copy(rows.at[pl.ds(0, _RPT - 2 * _CH)],
                  acc.at[pl.ds(sid * _RPT + 2 * _CH, _RPT - 2 * _CH)])
  plsc.subcore_barrier()

  def edge_pass(t_hbm):
    def chunk(k, _):
      rowbase = pl.multiple_of((sid * _EPT + k * 1024) // 128, 8)
      pltpu.sync_copy(src_hbm.at[pl.ds(rowbase, 8)], sidx)
      pltpu.sync_copy(dst_hbm.at[pl.ds(rowbase, 8)], didx)
      for h in range(4):
        descs = [
            pltpu.async_copy(t_hbm.at[sidx.at[h * 2 + j]],
                             rows.at[pl.ds(j * 128, 128)], sem)
            for j in range(2)
        ]
        for d in descs:
          d.wait()
        for j in range(2):
          pltpu.sync_copy(rows.at[pl.ds(j * 128, 128)],
                          acc.at[didx.at[h * 2 + j]], add=True)
      return ()
    lax.fori_loop(0, _EPT // 1024, chunk, ())

  @pl.when(c == 0)
  def _():
    edge_pass(t0_hbm)

  @pl.when(c == 1)
  def _():
    edge_pass(t1_hbm)

  plsc.subcore_barrier()

  @pl.when(c == 0)
  def _():
    pltpu.sync_copy(acc.at[pl.ds(sid * _RPT, _RPT)],
                    s0_hbm.at[pl.ds(sid * _RPT, _RPT)])

  @pl.when(c == 1)
  def _():
    pltpu.sync_copy(acc.at[pl.ds(sid * _RPT, _RPT)],
                    s1_hbm.at[pl.ds(sid * _RPT, _RPT)])


@jax.jit
def _sc_segsum(t0, t1, src2d, dst2d):
  return pl.kernel(
      _sc_segsum_body,
      out_type=(jax.ShapeDtypeStruct((_N_PAD, _DH), jnp.float32),
                jax.ShapeDtypeStruct((_N_PAD, _DH), jnp.float32)),
      mesh=_seg_mesh(),
      compiler_params=pltpu.CompilerParams(needs_layout_passes=False),
      scratch_types=[
          pltpu.VMEM_SHARED((_N_PAD, _DH), jnp.float32),
          pltpu.VMEM((_CH, _DH), jnp.float32),
          pltpu.VMEM((8, 128), jnp.int32),
          pltpu.VMEM((8, 128), jnp.int32),
          pltpu.SemaphoreType.DMA,
      ],
  )(t0, t1, src2d, dst2d)


_BLK = 2000
_NBLK = _N // _BLK


def _tc_mm_body(s0_ref, s1_ref, deg_ref, b_ref, w_ref, o_ref):
  agg = jnp.concatenate([s0_ref[...], s1_ref[...]], axis=1) / deg_ref[...]
  o_ref[...] = (
      jnp.dot(agg, w_ref[...], preferred_element_type=jnp.float32)
      + b_ref[...])


@jax.jit
def _tc_mm(s0, s1, deg, b, w):
  return pl.pallas_call(
      _tc_mm_body,
      grid=(_NBLK,),
      in_specs=[
          pl.BlockSpec((_BLK, _DH), lambda i: (i, 0)),
          pl.BlockSpec((_BLK, _DH), lambda i: (i, 0)),
          pl.BlockSpec((_BLK, 1), lambda i: (i, 0)),
          pl.BlockSpec((1, _D), lambda i: (0, 0)),
          pl.BlockSpec((_D, _D), lambda i: (0, 0)),
      ],
      out_specs=pl.BlockSpec((_BLK, _D), lambda i: (i, 0)),
      out_shape=jax.ShapeDtypeStruct((_N, _D), jnp.float32),
  )(s0, s1, deg, b, w)


def _tc_stats_body(h_ref, o_ref):
  x = h_ref[...]
  mean = jnp.mean(x, axis=0, keepdims=True)
  var = jnp.var(x, axis=0, keepdims=True)
  o_ref[...] = jnp.concatenate([mean, var], axis=0)


@jax.jit
def _tc_stats(h):
  return pl.pallas_call(
      _tc_stats_body,
      out_shape=jax.ShapeDtypeStruct((2, _D), jnp.float32),
  )(h)


def _bn_relu_block(h_ref, st_ref, g_ref, bt_ref):
  x = h_ref[...]
  mean = st_ref[0:1, :]
  var = st_ref[1:2, :]
  return jnp.maximum(
      (x - mean) / jnp.sqrt(var + 1e-5) * g_ref[...] + bt_ref[...], 0.0)


def _tc_apply_body(h_ref, st_ref, g_ref, bt_ref, o0_ref, o1_ref):
  h = _bn_relu_block(h_ref, st_ref, g_ref, bt_ref)
  o0_ref[...] = h[:, :_DH]
  o1_ref[...] = h[:, _DH:]


@jax.jit
def _tc_apply(h, st, g, bt):
  return pl.pallas_call(
      _tc_apply_body,
      grid=(_NBLK,),
      in_specs=[
          pl.BlockSpec((_BLK, _D), lambda i: (i, 0)),
          pl.BlockSpec((2, _D), lambda i: (0, 0)),
          pl.BlockSpec((1, _D), lambda i: (0, 0)),
          pl.BlockSpec((1, _D), lambda i: (0, 0)),
      ],
      out_specs=(
          pl.BlockSpec((_BLK, _DH), lambda i: (i, 0)),
          pl.BlockSpec((_BLK, _DH), lambda i: (i, 0)),
      ),
      out_shape=(jax.ShapeDtypeStruct((_N, _DH), jnp.float32),
                 jax.ShapeDtypeStruct((_N, _DH), jnp.float32)),
  )(h, st, g, bt)


def _tc_head_body(h_ref, st_ref, g_ref, bt_ref, w1_ref, b1_ref, w2_ref,
                  b2_ref, w3_ref, b3_ref, o_ref):
  h = _bn_relu_block(h_ref, st_ref, g_ref, bt_ref)
  h = jnp.maximum(
      jnp.dot(h, w1_ref[...], preferred_element_type=jnp.float32)
      + b1_ref[...], 0.0)
  h = jnp.maximum(
      jnp.dot(h, w2_ref[...], preferred_element_type=jnp.float32)
      + b2_ref[...], 0.0)
  o_ref[...] = (
      jnp.dot(h, w3_ref[...], preferred_element_type=jnp.float32)
      + b3_ref[...])


@jax.jit
def _tc_head(h, st, g, bt, w1, b1, w2, b2, w3, b3):
  return pl.pallas_call(
      _tc_head_body,
      grid=(_NBLK,),
      in_specs=[
          pl.BlockSpec((_BLK, _D), lambda i: (i, 0)),
          pl.BlockSpec((2, _D), lambda i: (0, 0)),
          pl.BlockSpec((1, _D), lambda i: (0, 0)),
          pl.BlockSpec((1, _D), lambda i: (0, 0)),
          pl.BlockSpec((_D, _H), lambda i: (0, 0)),
          pl.BlockSpec((1, _H), lambda i: (0, 0)),
          pl.BlockSpec((_H, _H), lambda i: (0, 0)),
          pl.BlockSpec((1, _H), lambda i: (0, 0)),
          pl.BlockSpec((_H, 1), lambda i: (0, 0)),
          pl.BlockSpec((1, 1), lambda i: (0, 0)),
      ],
      out_specs=pl.BlockSpec((_BLK, 1), lambda i: (i, 0)),
      out_shape=jax.ShapeDtypeStruct((_N, 1), jnp.float32),
  )(h, st, g, bt, w1, b1, w2, b2, w3, b3)


def kernel(x, conv_W, conv_b, bn_gamma, bn_beta, head_W1, head_b1, head_W2,
           head_b2, head_W3, head_b3, edge_index, batch):
  src = edge_index[0]
  dst = edge_index[1]
  npad = _E_PAD - _E
  pad_i = jnp.arange(npad, dtype=jnp.int32)
  src_p = jnp.concatenate([src, (pad_i * 97) % _N])
  dst_p = jnp.concatenate([dst, _N + (pad_i % (_N_PAD - _N))])
  src2d = src_p.reshape(_E_PAD // 128, 128)
  dst2d = dst_p.reshape(_E_PAD // 128, 128)

  deg = _sc_deg(dst2d)[: _N].reshape(_N, 1)

  b2 = lambda v: v.reshape(1, -1)
  h0, h1 = x[:, :_DH], x[:, _DH:]
  for l in range(_L):
    s0, s1 = _sc_segsum(h0, h1, src2d, dst2d)
    hpre = _tc_mm(s0, s1, deg, b2(conv_b[l]), conv_W[l])
    st = _tc_stats(hpre)
    if l < _L - 1:
      h0, h1 = _tc_apply(hpre, st, b2(bn_gamma[l]), b2(bn_beta[l]))
    else:
      out = _tc_head(hpre, st, b2(bn_gamma[l]), b2(bn_beta[l]),
                     head_W1, b2(head_b1), head_W2, b2(head_b2),
                     head_W3, b2(head_b3))
  return out

# --- scband reference (transcript-rebuilt; emitter-appended) ---
"""Pipeline reference for scband-base-72344429134194 (READ-ONLY COPY).

The authoritative reference and input builder live on the scoring server;
editing this copy changes nothing except your own understanding.
"""

import jax, jax.numpy as jnp
import numpy as np

N = 10000
E = 160000
D = 256
L = 6
H = 256

def setup_inputs(seed: int = 0) -> dict:
    key = jax.random.key(seed)
    ks = jax.random.split(key, 8)
    x = jax.random.normal(ks[0], (N, D), dtype=jnp.float32)
    edge_index = jax.random.randint(ks[1], (2, E), 0, N, dtype=jnp.int32)
    batch = jnp.zeros((N,), dtype=jnp.int32)
    conv_W = jax.random.normal(ks[2], (L, D, D), dtype=jnp.float32) * (1.0 / np.sqrt(D))
    conv_b = jnp.zeros((L, D), dtype=jnp.float32)
    bn_gamma = jnp.ones((L, D), dtype=jnp.float32)
    bn_beta = jnp.zeros((L, D), dtype=jnp.float32)
    head_W1 = jax.random.normal(ks[3], (D, H), dtype=jnp.float32) * (1.0 / np.sqrt(D))
    head_b1 = jnp.zeros((H,), dtype=jnp.float32)
    head_W2 = jax.random.normal(ks[4], (H, H), dtype=jnp.float32) * (1.0 / np.sqrt(H))
    head_b2 = jnp.zeros((H,), dtype=jnp.float32)
    head_W3 = jax.random.normal(ks[5], (H, 1), dtype=jnp.float32) * (1.0 / np.sqrt(H))
    head_b3 = jnp.zeros((1,), dtype=jnp.float32)
    return {"x": x, "conv_W": conv_W, "conv_b": conv_b, "bn_gamma": bn_gamma, "bn_beta": bn_beta,
            "head_W1": head_W1, "head_b1": head_b1, "head_W2": head_W2, "head_b2": head_b2,
            "head_W3": head_W3, "head_b3": head_b3, "edge_index": edge_index, "batch": batch}

def reference(x, conv_W, conv_b, bn_gamma, bn_beta, head_W1, head_b1, head_W2, head_b2, head_W3, head_b3, edge_index, batch):
    src = edge_index[0]
    dst = edge_index[1]
    deg = jax.ops.segment_sum(jnp.ones((E,), dtype=x.dtype), dst, num_segments=N)
    deg = jnp.clip(deg, 1.0)
    h = x
    for l in range(L):
        msg = jnp.take(h, src, axis=0)
        agg = jax.ops.segment_sum(msg, dst, num_segments=N) / deg[:, None]
        h = agg @ conv_W[l] + conv_b[l]
        mean = jnp.mean(h, axis=0)
        var = jnp.var(h, axis=0)
        h = (h - mean) / jnp.sqrt(var + 1e-5) * bn_gamma[l] + bn_beta[l]
        h = jax.nn.relu(h)
    out = jax.nn.relu(h @ head_W1 + head_b1)
    out = jax.nn.relu(out @ head_W2 + head_b2)
    out = out @ head_W3 + head_b3
    return out

if __name__ == "__main__":
    import jax
    _d = setup_inputs()
    print(jax.jit(kernel)(*tuple(_d.values())))

</pallas_src>

<mosaic_0001>
#map = affine_map<(d0, d1) -> (0, 0)>
#map1 = affine_map<(d0, d1) -> (0)>
module attributes {stable_mosaic.version = 14 : i64} {
  func.func @_sc_deg_body(%arg0: i32, %arg1: i32, %arg2: memref<1280x128xi32, #tpu.memory_space<hbm>>, %arg3: memref<10240xf32, #tpu.memory_space<hbm>>, %arg4: memref<10240xf32, #tpu.memory_space<vmem>>, %arg5: memref<16x128xi32, #tpu.memory_space<vmem>>, %arg6: memref<16x640xf32, #tpu.memory_space<vmem>>, %arg7: memref<640xf32, #tpu.memory_space<vmem>>, %arg8: memref<16x10240xf32, #tpu.memory_space<vmem_shared>>) attributes {dimension_semantics = [#tpu.dimension_semantics<core_parallel>, #tpu.dimension_semantics<subcore_parallel>], iteration_bounds = array<i64: 2, 16>, scalar_prefetch = 0 : i64, scratch_operands = 5 : i64, tpu.core_type = #tpu.core_type<sc_vector_subcore>, window_params = [{transform_indices = #map}, {transform_indices = #map1}]} {
    %broadcast_in_dim3A = arith.constant 0.000000e+00 : f32
    %broadcast_in_dim3A_0 = vector.broadcast %broadcast_in_dim3A : f32 to vector<16xf32>
    %broadcast_in_dim3A_1 = arith.constant 1.000000e+00 : f32
    %broadcast_in_dim3A_2 = vector.broadcast %broadcast_in_dim3A_1 : f32 to vector<16xf32>
    %eq3A = arith.constant 0 : i32
    %eq3A_3 = arith.cmpi eq, %arg0, %eq3A : i32
    %convert_element_type3A = arith.extui %eq3A_3 : i1 to i32
    %cond3A = arith.constant 0 : i32
    %cond3A_4 = arith.cmpi ne, %convert_element_type3A, %cond3A : i32
    scf.if %cond3A_4 {
      %scan3A = arith.constant 0 : i32
      %scan3A_5 = arith.constant 640 : i32
      %scan3A_6 = arith.addi %scan3A, %scan3A_5 : i32
      %scan3A_7 = arith.constant 1 : i32
      scf.for %scan3A_51 = %scan3A to %scan3A_6 step %scan3A_7  : i32 {
        %mul3A_52 = arith.constant 16 : i32
        %mul3A_53 = arith.muli %scan3A_51, %mul3A_52 : i32
        %swap3A = arith.index_cast %mul3A_53 : i32 to index
        %swap3A_54 = tpu.vector_load %arg4[%swap3A] {strides = array<i32>} : memref<10240xf32, #tpu.memory_space<vmem>>, vector<16xf32>,
        tpu.vector_store %arg4[%swap3A], %broadcast_in_dim3A_0 {strides = array<i32>} : memref<10240xf32, #tpu.memory_space<vmem>>, vector<16xf32>,
      }
      %scan3A_8 = arith.constant 640 : i32
      %scan3A_9 = arith.constant 0 : i32
      %scan3A_10 = arith.constant 5 : i32
      %scan3A_11 = arith.addi %scan3A_9, %scan3A_10 : i32
      %scan3A_12 = arith.constant 1 : i32
      scf.for %scan3A_51 = %scan3A_9 to %scan3A_11 step %scan3A_12  : i32 {
        %mul3A_52 = arith.constant 80 : i32
        %mul3A_53 = arith.muli %arg1, %mul3A_52 : i32
        %mul3A_54 = arith.constant 16 : i32
        %mul3A_55 = arith.muli %scan3A_51, %mul3A_54 : i32
        %add3A = arith.addi %mul3A_53, %mul3A_55 : i32
        "tpu.region"() ({
          %run_scoped3A_61 = tpu.sem_alloc : memref<!tpu.dma_semaphore, #tpu.memory_space<semaphore_mem>>
          %dma_start3A = arith.constant 0 : i32
          %dma_start3A_62 = tpu.memref_slice %arg2[%add3A, %dma_start3A] : memref<1280x128xi32, #tpu.memory_space<hbm>> -> memref<16x128xi32, #tpu.memory_space<hbm>>
          %dma_start3A_63 = arith.constant 0 : i32
          %dma_start3A_64 = tpu.memref_slice %arg2[%add3A, %dma_start3A_63] : memref<1280x128xi32, #tpu.memory_space<hbm>> -> memref<16x128xi32, #tpu.memory_space<hbm>>
          tpu.enqueue_dma source(%dma_start3A_64 : memref<16x128xi32, #tpu.memory_space<hbm>>) target(%arg5 : memref<16x128xi32, #tpu.memory_space<vmem>>) target_semaphore(%run_scoped3A_61 : memref<!tpu.dma_semaphore, #tpu.memory_space<semaphore_mem>>)
          %dma_wait3A = arith.constant 0 : i32
          %dma_wait3A_65 = tpu.memref_slice %arg2[%add3A, %dma_wait3A] : memref<1280x128xi32, #tpu.memory_space<hbm>> -> memref<16x128xi32, #tpu.memory_space<hbm>>
          %dma_wait3A_66 = arith.constant 0 : i32
          %dma_wait3A_67 = tpu.memref_slice %arg2[%add3A, %dma_wait3A_66] : memref<1280x128xi32, #tpu.memory_space<hbm>> -> memref<16x128xi32, #tpu.memory_space<hbm>>
          tpu.wait_dma2 semaphore(%run_scoped3A_61 : memref<!tpu.dma_semaphore, #tpu.memory_space<semaphore_mem>>) src(%dma_wait3A_67 : memref<16x128xi32, #tpu.memory_space<hbm>>) dst(%arg5 : memref<16x128xi32, #tpu.memory_space<vmem>>)
          tpu.yield
        }) : () -> ()
        %scan3A_56 = arith.constant 0 : i32
        %scan3A_57 = arith.constant 128 : i32
        %scan3A_58 = arith.addi %scan3A_56, %scan3A_57 : i32
        %scan3A_59 = arith.constant 1 : i32
        scf.for %scan3A_61 = %scan3A_56 to %scan3A_58 step %scan3A_59  : i32 {
          %jit3A = arith.constant 8 : i32
          %div3A = arith.divsi %scan3A_61, %jit3A : i32
          %sign3A = arith.constant 0 : i32
          %sign3A_62 = arith.cmpi sgt, %scan3A_61, %sign3A : i32
          %sign3A_63 = arith.extui %sign3A_62 : i1 to i32
          %sign3A_64 = arith.constant 0 : i32
          %sign3A_65 = arith.cmpi slt, %scan3A_61, %sign3A_64 : i32
          %sign3A_66 = arith.extui %sign3A_65 : i1 to i32
          %sign3A_67 = arith.subi %sign3A_63, %sign3A_66 : i32
          %sign3A_68 = arith.constant 0 : i32
          %sign3A_69 = arith.cmpi sgt, %jit3A, %sign3A_68 : i32
          %sign3A_70 = arith.extui %sign3A_69 : i1 to i32
          %sign3A_71 = arith.constant 0 : i32
          %sign3A_72 = arith.cmpi slt, %jit3A, %sign3A_71 : i32
          %sign3A_73 = arith.extui %sign3A_72 : i1 to i32
          %sign3A_74 = arith.subi %sign3A_70, %sign3A_73 : i32
          %ne3A = arith.cmpi ne, %sign3A_67, %sign3A_74 : i32
          %rem3A = arith.remsi %scan3A_61, %jit3A : i32
          %ne3A_75 = arith.constant 0 : i32
          %ne3A_76 = arith.cmpi ne, %rem3A, %ne3A_75 : i32
          %and3A = arith.andi %ne3A, %ne3A_76 : i1
          %sub3A = arith.constant 1 : i32
          %sub3A_77 = arith.subi %div3A, %sub3A : i32
          %select_n3A = arith.select %and3A, %sub3A_77, %div3A : i32
          %jit3A_78 = arith.constant 8 : i32
          %eq3A_79 = arith.constant 0 : i32
          %eq3A_80 = arith.cmpi eq, %jit3A_78, %eq3A_79 : i32
          %jit3A_81 = arith.constant 1 : i32
          %select_n3A_82 = arith.select %eq3A_80, %jit3A_81, %jit3A_78 : i32
          %rem3A_83 = arith.remsi %scan3A_61, %select_n3A_82 : i32
          %ne3A_84 = arith.constant 0 : i32
          %ne3A_85 = arith.cmpi ne, %rem3A_83, %ne3A_84 : i32
          %lt3A = arith.constant 0 : i32
          %lt3A_86 = arith.cmpi slt, %rem3A_83, %lt3A : i32
          %lt3A_87 = arith.constant 0 : i32
          %lt3A_88 = arith.cmpi slt, %select_n3A_82, %lt3A_87 : i32
          %ne3A_89 = arith.xori %lt3A_86, %lt3A_88 : i1
          %and3A_90 = arith.andi %ne3A_89, %ne3A_85 : i1
          %add3A_91 = arith.addi %rem3A_83, %select_n3A_82 : i32
          %select_n3A_92 = arith.select %and3A_90, %add3A_91, %rem3A_83 : i32
          %mul3A_93 = arith.constant 16 : i32
          %mul3A_94 = arith.muli %select_n3A_92, %mul3A_93 : i32
          %get3A = arith.index_cast %select_n3A : i32 to index
          %get3A_95 = arith.index_cast %mul3A_94 : i32 to index
          %get3A_96 = tpu.vector_load %arg5[%get3A, %get3A_95] {strides = array<i32>} : memref<16x128xi32, #tpu.memory_space<vmem>>, vector<16xi32>,
          tpu.vector_store_idx %arg4[%get3A_96], %broadcast_in_dim3A_2 {add = true} : memref<10240xf32, #tpu.memory_space<vmem>>[vector<16xi32>], vector<16xf32>,
        }
        %scan3A_60 = arith.constant 128 : i32
      }
      %scan3A_13 = arith.constant 5 : i32
      "tpu.region"() ({
        %run_scoped3A_51 = tpu.sem_alloc : memref<!tpu.dma_semaphore, #tpu.memory_space<semaphore_mem>>
        %dma_start3A = arith.constant 0 : i32
        %dma_start3A_52 = tpu.memref_slice %arg8[%arg1, %dma_start3A] : memref<16x10240xf32, #tpu.memory_space<vmem_shared>> -> memref<1x10240xf32, #tpu.memory_space<vmem_shared>>
        %dma_start3A_53 = tpu.memref_squeeze %dma_start3A_52 : memref<1x10240xf32, #tpu.memory_space<vmem_shared>> -> memref<10240xf32, #tpu.memory_space<vmem_shared>>
        %dma_start3A_54 = arith.constant 0 : i32
        %dma_start3A_55 = tpu.memref_slice %arg8[%arg1, %dma_start3A_54] : memref<16x10240xf32, #tpu.memory_space<vmem_shared>> -> memref<1x10240xf32, #tpu.memory_space<vmem_shared>>
        %dma_start3A_56 = tpu.memref_squeeze %dma_start3A_55 : memref<1x10240xf32, #tpu.memory_space<vmem_shared>> -> memref<10240xf32, #tpu.memory_space<vmem_shared>>
        tpu.enqueue_dma source(%arg4 : memref<10240xf32, #tpu.memory_space<vmem>>) target(%dma_start3A_56 : memref<10240xf32, #tpu.memory_space<vmem_shared>>) target_semaphore(%run_scoped3A_51 : memref<!tpu.dma_semaphore, #tpu.memory_space<semaphore_mem>>)
        %dma_wait3A = arith.constant 0 : i32
        %dma_wait3A_57 = tpu.memref_slice %arg8[%arg1, %dma_wait3A] : memref<16x10240xf32, #tpu.memory_space<vmem_shared>> -> memref<1x10240xf32, #tpu.memory_space<vmem_shared>>
        %dma_wait3A_58 = tpu.memref_squeeze %dma_wait3A_57 : memref<1x10240xf32, #tpu.memory_space<vmem_shared>> -> memref<10240xf32, #tpu.memory_space<vmem_shared>>
        %dma_wait3A_59 = arith.constant 0 : i32
        %dma_wait3A_60 = tpu.memref_slice %arg8[%arg1, %dma_wait3A_59] : memref<16x10240xf32, #tpu.memory_space<vmem_shared>> -> memref<1x10240xf32, #tpu.memory_space<vmem_shared>>
        %dma_wait3A_61 = tpu.memref_squeeze %dma_wait3A_60 : memref<1x10240xf32, #tpu.memory_space<vmem_shared>> -> memref<10240xf32, #tpu.memory_space<vmem_shared>>
        tpu.wait_dma2 semaphore(%run_scoped3A_51 : memref<!tpu.dma_semaphore, #tpu.memory_space<semaphore_mem>>) src(%arg4 : memref<10240xf32, #tpu.memory_space<vmem>>) dst(%dma_wait3A_61 : memref<10240xf32, #tpu.memory_space<vmem_shared>>)
        tpu.yield
      }) : () -> ()
      %barrier3A = arith.constant 0 : index
      tpu.barrier barrier_id(%barrier3A)
      %mul3A = arith.constant 640 : i32
      %mul3A_14 = arith.muli %arg1, %mul3A : i32
      %run_scoped3A = arith.constant 0 : i32
      %run_scoped3A_15 = arith.constant 0 : i32
      "tpu.region"() ({
        %run_scoped3A_51 = tpu.sem_alloc : memref<!tpu.dma_semaphore, #tpu.memory_space<semaphore_mem>>
        %dma_start3A = arith.constant 0 : i32
        %dma_start3A_52 = tpu.memref_slice %arg6[%run_scoped3A_15, %dma_start3A] : memref<16x640xf32, #tpu.memory_space<vmem>> -> memref<1x640xf32, #tpu.memory_space<vmem>>
        %dma_start3A_53 = tpu.memref_squeeze %dma_start3A_52 : memref<1x640xf32, #tpu.memory_space<vmem>> -> memref<640xf32, #tpu.memory_space<vmem>>
        %dma_start3A_54 = tpu.memref_slice %arg8[%run_scoped3A, %mul3A_14] : memref<16x10240xf32, #tpu.memory_space<vmem_shared>> -> memref<1x640xf32, #tpu.memory_space<vmem_shared>>
        %dma_start3A_55 = tpu.memref_squeeze %dma_start3A_54 : memref<1x640xf32, #tpu.memory_space<vmem_shared>> -> memref<640xf32, #tpu.memory_space<vmem_shared>>
        %dma_start3A_56 = arith.constant 0 : i32
        %dma_start3A_57 = tpu.memref_slice %arg6[%run_scoped3A_15, %dma_start3A_56] : memref<16x640xf32, #tpu.memory_space<vmem>> -> memref<1x640xf32, #tpu.memory_space<vmem>>
        %dma_start3A_58 = tpu.memref_squeeze %dma_start3A_57 : memref<1x640xf32, #tpu.memory_space<vmem>> -> memref<640xf32, #tpu.memory_space<vmem>>
        %dma_start3A_59 = tpu.memref_slice %arg8[%run_scoped3A, %mul3A_14] : memref<16x10240xf32, #tpu.memory_space<vmem_shared>> -> memref<1x640xf32, #tpu.memory_space<vmem_shared>>
        %dma_start3A_60 = tpu.memref_squeeze %dma_start3A_59 : memref<1x640xf32, #tpu.memory_space<vmem_shared>> -> memref<640xf32, #tpu.memory_space<vmem_shared>>
        tpu.enqueue_dma source(%dma_start3A_60 : memref<640xf32, #tpu.memory_space<vmem_shared>>) target(%dma_start3A_58 : memref<640xf32, #tpu.memory_space<vmem>>) target_semaphore(%run_scoped3A_51 : memref<!tpu.dma_semaphore, #tpu.memory_space<semaphore_mem>>)
        %dma_wait3A = arith.constant 0 : i32
        %dma_wait3A_61 = tpu.memref_slice %arg6[%run_scoped3A_15, %dma_wait3A] : memref<16x640xf32, #tpu.memory_space<vmem>> -> memref<1x640xf32, #tpu.memory_space<vmem>>
        %dma_wait3A_62 = tpu.memref_squeeze %dma_wait3A_61 : memref<1x640xf32, #tpu.memory_space<vmem>> -> memref<640xf32, #tpu.memory_space<vmem>>
        %dma_wait3A_63 = tpu.memref_slice %arg8[%run_scoped3A, %mul3A_14] : memref<16x10240xf32, #tpu.memory_space<vmem_shared>> -> memref<1x640xf32, #tpu.memory_space<vmem_shared>>
        %dma_wait3A_64 = tpu.memref_squeeze %dma_wait3A_63 : memref<1x640xf32, #tpu.memory_space<vmem_shared>> -> memref<640xf32, #tpu.memory_space<vmem_shared>>
        %dma_wait3A_65 = arith.constant 0 : i32
        %dma_wait3A_66 = tpu.memref_slice %arg6[%run_scoped3A_15, %dma_wait3A_65] : memref<16x640xf32, #tpu.memory_space<vmem>> -> memref<1x640xf32, #tpu.memory_space<vmem>>
        %dma_wait3A_67 = tpu.memref_squeeze %dma_wait3A_66 : memref<1x640xf32, #tpu.memory_space<vmem>> -> memref<640xf32, #tpu.memory_space<vmem>>
        %dma_wait3A_68 = tpu.memref_slice %arg8[%run_scoped3A, %mul3A_14] : memref<16x10240xf32, #tpu.memory_space<vmem_shared>> -> memref<1x640xf32, #tpu.memory_space<vmem_shared>>
        %dma_wait3A_69 = tpu.memref_squeeze %dma_wait3A_68 : memref<1x640xf32, #tpu.memory_space<vmem_shared>> -> memref<640xf32, #tpu.memory_space<vmem_shared>>
        tpu.wait_dma2 semaphore(%run_scoped3A_51 : memref<!tpu.dma_semaphore, #tpu.memory_space<semaphore_mem>>) src(%dma_wait3A_69 : memref<640xf32, #tpu.memory_space<vmem_shared>>) dst(%dma_wait3A_67 : memref<640xf32, #tpu.memory_space<vmem>>)
        tpu.yield
      }) : () -> ()
      %run_scoped3A_16 = arith.constant 1 : i32
      %run_scoped3A_17 = arith.constant 1 : i32
      "tpu.region"() ({
        %run_scoped3A_51 = tpu.sem_alloc : memref<!tpu.dma_semaphore, #tpu.memory_space<semaphore_mem>>
        %dma_start3A = arith.constant 0 : i32
        %dma_start3A_52 = tpu.memref_slice %arg6[%run_scoped3A_17, %dma_start3A] : memref<16x640xf32, #tpu.memory_space<vmem>> -> memref<1x640xf32, #tpu.memory_space<vmem>>
        %dma_start3A_53 = tpu.memref_squeeze %dma_start3A_52 : memref<1x640xf32, #tpu.memory_space<vmem>> -> memref<640xf32, #tpu.memory_space<vmem>>
        %dma_start3A_54 = tpu.memref_slice %arg8[%run_scoped3A_16, %mul3A_14] : memref<16x10240xf32, #tpu.memory_space<vmem_shared>> -> memref<1x640xf32, #tpu.memory_space<vmem_shared>>
        %dma_start3A_55 = tpu.memref_squeeze %dma_start3A_54 : memref<1x640xf32, #tpu.memory_space<vmem_shared>> -> memref<640xf32, #tpu.memory_space<vmem_shared>>
        %dma_start3A_56 = arith.constant 0 : i32
        %dma_start3A_57 = tpu.memref_slice %arg6[%run_scoped3A_17, %dma_start3A_56] : memref<16x640xf32, #tpu.memory_space<vmem>> -> memref<1x640xf32, #tpu.memory_space<vmem>>
        %dma_start3A_58 = tpu.memref_squeeze %dma_start3A_57 : memref<1x640xf32, #tpu.memory_space<vmem>> -> memref<640xf32, #tpu.memory_space<vmem>>
        %dma_start3A_59 = tpu.memref_slice %arg8[%run_scoped3A_16, %mul3A_14] : memref<16x10240xf32, #tpu.memory_space<vmem_shared>> -> memref<1x640xf32, #tpu.memory_space<vmem_shared>>
        %dma_start3A_60 = tpu.memref_squeeze %dma_start3A_59 : memref<1x640xf32, #tpu.memory_space<vmem_shared>> -> memref<640xf32, #tpu.memory_space<vmem_shared>>
        tpu.enqueue_dma source(%dma_start3A_60 : memref<640xf32, #tpu.memory_space<vmem_shared>>) target(%dma_start3A_58 : memref<640xf32, #tpu.memory_space<vmem>>) target_semaphore(%run_scoped3A_51 : memref<!tpu.dma_semaphore, #tpu.memory_space<semaphore_mem>>)
        %dma_wait3A = arith.constant 0 : i32
        %dma_wait3A_61 = tpu.memref_slice %arg6[%run_scoped3A_17, %dma_wait3A] : memref<16x640xf32, #tpu.memory_space<vmem>> -> memref<1x640xf32, #tpu.memory_space<vmem>>
        %dma_wait3A_62 = tpu.memref_squeeze %dma_wait3A_61 : memref<1x640xf32, #tpu.memory_space<vmem>> -> memref<640xf32, #tpu.memory_space<vmem>>
        %dma_wait3A_63 = tpu.memref_slice %arg8[%run_scoped3A_16, %mul3A_14] : memref<16x10240xf32, #tpu.memory_space<vmem_shared>> -> memref<1x640xf32, #tpu.memory_space<vmem_shared>>
        %dma_wait3A_64 = tpu.memref_squeeze %dma_wait3A_63 : memref<1x640xf32, #tpu.memory_space<vmem_shared>> -> memref<640xf32, #tpu.memory_space<vmem_shared>>
        %dma_wait3A_65 = arith.constant 0 : i32
        %dma_wait3A_66 = tpu.memref_slice %arg6[%run_scoped3A_17, %dma_wait3A_65] : memref<16x640xf32, #tpu.memory_space<vmem>> -> memref<1x640xf32, #tpu.memory_space<vmem>>
        %dma_wait3A_67 = tpu.memref_squeeze %dma_wait3A_66 : memref<1x640xf32, #tpu.memory_space<vmem>> -> memref<640xf32, #tpu.memory_space<vmem>>
        %dma_wait3A_68 = tpu.memref_slice %arg8[%run_scoped3A_16, %mul3A_14] : memref<16x10240xf32, #tpu.memory_space<vmem_shared>> -> memref<1x640xf32, #tpu.memory_space<vmem_shared>>
        %dma_wait3A_69 = tpu.memref_squeeze %dma_wait3A_68 : memref<1x640xf32, #tpu.memory_space<vmem_shared>> -> memref<640xf32, #tpu.memory_space<vmem_shared>>
        tpu.wait_dma2 semaphore(%run_scoped3A_51 : memref<!tpu.dma_semaphore, #tpu.memory_space<semaphore_mem>>) src(%dma_wait3A_69 : memref<640xf32, #tpu.memory_space<vmem_shared>>) dst(%dma_wait3A_67 : memref<640xf32, #tpu.memory_space<vmem>>)
        tpu.yield
      }) : () -> ()
      %run_scoped3A_18 = arith.constant 2 : i32
      %run_scoped3A_19 = arith.constant 2 : i32
      "tpu.region"() ({
        %run_scoped3A_51 = tpu.sem_alloc : memref<!tpu.dma_semaphore, #tpu.memory_space<semaphore_mem>>
        %dma_start3A = arith.constant 0 : i32
        %dma_start3A_52 = tpu.memref_slice %arg6[%run_scoped3A_19, %dma_start3A] : memref<16x640xf32, #tpu.memory_space<vmem>> -> memref<1x640xf32, #tpu.memory_space<vmem>>
        %dma_start3A_53 = tpu.memref_squeeze %dma_start3A_52 : memref<1x640xf32, #tpu.memory_space<vmem>> -> memref<640xf32, #tpu.memory_space<vmem>>
        %dma_start3A_54 = tpu.memref_slice %arg8[%run_scoped3A_18, %mul3A_14] : memref<16x10240xf32, #tpu.memory_space<vmem_shared>> -> memref<1x640xf32, #tpu.memory_space<vmem_shared>>
        %dma_start3A_55 = tpu.memref_squeeze %dma_start3A_54 : memref<1x640xf32, #tpu.memory_space<vmem_shared>> -> memref<640xf32, #tpu.memory_space<vmem_shared>>
        %dma_start3A_56 = arith.constant 0 : i32
        %dma_start3A_57 = tpu.memref_slice %arg6[%run_scoped3A_19, %dma_start3A_56] : memref<16x640xf32, #tpu.memory_space<vmem>> -> memref<1x640xf32, #tpu.memory_space<vmem>>
        %dma_start3A_58 = tpu.memref_squeeze %dma_start3A_57 : memref<1x640xf32, #tpu.memory_space<vmem>> -> memref<640xf32, #tpu.memory_space<vmem>>
        %dma_start3A_59 = tpu.memref_slice %arg8[%run_scoped3A_18, %mul3A_14] : memref<16x10240xf32, #tpu.memory_space<vmem_shared>> -> memref<1x640xf32, #tpu.memory_space<vmem_shared>>
        %dma_start3A_60 = tpu.memref_squeeze %dma_start3A_59 : memref<1x640xf32, #tpu.memory_space<vmem_shared>> -> memref<640xf32, #tpu.memory_space<vmem_shared>>
        tpu.enqueue_dma source(%dma_start3A_60 : memref<640xf32, #tpu.memory_space<vmem_shared>>) target(%dma_start3A_58 : memref<640xf32, #tpu.memory_space<vmem>>) target_semaphore(%run_scoped3A_51 : memref<!tpu.dma_semaphore, #tpu.memory_space<semaphore_mem>>)
        %dma_wait3A = arith.constant 0 : i32
        %dma_wait3A_61 = tpu.memref_slice %arg6[%run_scoped3A_19, %dma_wait3A] : memref<16x640xf32, #tpu.memory_space<vmem>> -> memref<1x640xf32, #tpu.memory_space<vmem>>
        %dma_wait3A_62 = tpu.memref_squeeze %dma_wait3A_61 : memref<1x640xf32, #tpu.memory_space<vmem>> -> memref<640xf32, #tpu.memory_space<vmem>>
        %dma_wait3A_63 = tpu.memref_slice %arg8[%run_scoped3A_18, %mul3A_14] : memref<16x10240xf32, #tpu.memory_space<vmem_shared>> -> memref<1x640xf32, #tpu.memory_space<vmem_shared>>
        %dma_wait3A_64 = tpu.memref_squeeze %dma_wait3A_63 : memref<1x640xf32, #tpu.memory_space<vmem_shared>> -> memref<640xf32, #tpu.memory_space<vmem_shared>>
        %dma_wait3A_65 = arith.constant 0 : i32
        %dma_wait3A_66 = tpu.memref_slice %arg6[%run_scoped3A_19, %dma_wait3A_65] : memref<16x640xf32, #tpu.memory_space<vmem>> -> memref<1x640xf32, #tpu.memory_space<vmem>>
        %dma_wait3A_67 = tpu.memref_squeeze %dma_wait3A_66 : memref<1x640xf32, #tpu.memory_space<vmem>> -> memref<640xf32, #tpu.memory_space<vmem>>
        %dma_wait3A_68 = tpu.memref_slice %arg8[%run_scoped3A_18, %mul3A_14] : memref<16x10240xf32, #tpu.memory_space<vmem_shared>> -> memref<1x640xf32, #tpu.memory_space<vmem_shared>>
        %dma_wait3A_69 = tpu.memref_squeeze %dma_wait3A_68 : memref<1x640xf32, #tpu.memory_space<vmem_shared>> -> memref<640xf32, #tpu.memory_space<vmem_shared>>
        tpu.wait_dma2 semaphore(%run_scoped3A_51 : memref<!tpu.dma_semaphore, #tpu.memory_space<semaphore_mem>>) src(%dma_wait3A_69 : memref<640xf32, #tpu.memory_space<vmem_shared>>) dst(%dma_wait3A_67 : memref<640xf32, #tpu.memory_space<vmem>>)
        tpu.yield
      }) : () -> ()
      %run_scoped3A_20 = arith.constant 3 : i32
      %run_scoped3A_21 = arith.constant 3 : i32
      "tpu.region"() ({
        %run_scoped3A_51 = tpu.sem_alloc : memref<!tpu.dma_semaphore, #tpu.memory_space<semaphore_mem>>
        %dma_start3A = arith.constant 0 : i32
        %dma_start3A_52 = tpu.memref_slice %arg6[%run_scoped3A_21, %dma_start3A] : memref<16x640xf32, #tpu.memory_space<vmem>> -> memref<1x640xf32, #tpu.memory_space<vmem>>
        %dma_start3A_53 = tpu.memref_squeeze %dma_start3A_52 : memref<1x640xf32, #tpu.memory_space<vmem>> -> memref<640xf32, #tpu.memory_space<vmem>>
        %dma_start3A_54 = tpu.memref_slice %arg8[%run_scoped3A_20, %mul3A_14] : memref<16x10240xf32, #tpu.memory_space<vmem_shared>> -> memref<1x640xf32, #tpu.memory_space<vmem_shared>>
        %dma_start3A_55 = tpu.memref_squeeze %dma_start3A_54 : memref<1x640xf32, #tpu.memory_space<vmem_shared>> -> memref<640xf32, #tpu.memory_space<vmem_shared>>
        %dma_start3A_56 = arith.constant 0 : i32
        %dma_start3A_57 = tpu.memref_slice %arg6[%run_scoped3A_21, %dma_start3A_56] : memref<16x640xf32, #tpu.memory_space<vmem>> -> memref<1x640xf32, #tpu.memory_space<vmem>>
        %dma_start3A_58 = tpu.memref_squeeze %dma_start3A_57 : memref<1x640xf32, #tpu.memory_space<vmem>> -> memref<640xf32, #tpu.memory_space<vmem>>
        %dma_start3A_59 = tpu.memref_slice %arg8[%run_scoped3A_20, %mul3A_14] : memref<16x10240xf32, #tpu.memory_space<vmem_shared>> -> memref<1x640xf32, #tpu.memory_space<vmem_shared>>
        %dma_start3A_60 = tpu.memref_squeeze %dma_start3A_59 : memref<1x640xf32, #tpu.memory_space<vmem_shared>> -> memref<640xf32, #tpu.memory_space<vmem_shared>>
        tpu.enqueue_dma source(%dma_start3A_60 : memref<640xf32, #tpu.memory_space<vmem_shared>>) target(%dma_start3A_58 : memref<640xf32, #tpu.memory_space<vmem>>) target_semaphore(%run_scoped3A_51 : memref<!tpu.dma_semaphore, #tpu.memory_space<semaphore_mem>>)
        %dma_wait3A = arith.constant 0 : i32
        %dma_wait3A_61 = tpu.memref_slice %arg6[%run_scoped3A_21, %dma_wait3A] : memref<16x640xf32, #tpu.memory_space<vmem>> -> memref<1x640xf32, #tpu.memory_space<vmem>>
        %dma_wait3A_62 = tpu.memref_squeeze %dma_wait3A_61 : memref<1x640xf32, #tpu.memory_space<vmem>> -> memref<640xf32, #tpu.memory_space<vmem>>
        %dma_wait3A_63 = tpu.memref_slice %arg8[%run_scoped3A_20, %mul3A_14] : memref<16x10240xf32, #tpu.memory_space<vmem_shared>> -> memref<1x640xf32, #tpu.memory_space<vmem_shared>>
        %dma_wait3A_64 = tpu.memref_squeeze %dma_wait3A_63 : memref<1x640xf32, #tpu.memory_space<vmem_shared>> -> memref<640xf32, #tpu.memory_space<vmem_shared>>
        %dma_wait3A_65 = arith.constant 0 : i32
        %dma_wait3A_66 = tpu.memref_slice %arg6[%run_scoped3A_21, %dma_wait3A_65] : memref<16x640xf32, #tpu.memory_space<vmem>> -> memref<1x640xf32, #tpu.memory_space<vmem>>
        %dma_wait3A_67 = tpu.memref_squeeze %dma_wait3A_66 : memref<1x640xf32, #tpu.memory_space<vmem>> -> memref<640xf32, #tpu.memory_space<vmem>>
        %dma_wait3A_68 = tpu.memref_slice %arg8[%run_scoped3A_20, %mul3A_14] : memref<16x10240xf32, #tpu.memory_space<vmem_shared>> -> memref<1x640xf32, #tpu.memory_space<vmem_shared>>
        %dma_wait3A_69 = tpu.memref_squeeze %dma_wait3A_68 : memref<1x640xf32, #tpu.memory_space<vmem_shared>> -> memref<640xf32, #tpu.memory_space<vmem_shared>>
        tpu.wait_dma2 semaphore(%run_scoped3A_51 : memref<!tpu.dma_semaphore, #tpu.memory_space<semaphore_mem>>) src(%dma_wait3A_69 : memref<640xf32, #tpu.memory_space<vmem_shared>>) dst(%dma_wait3A_67 : memref<640xf32, #tpu.memory_space<vmem>>)
        tpu.yield
      }) : () -> ()
      %run_scoped3A_22 = arith.constant 4 : i32
      %run_scoped3A_23 = arith.constant 4 : i32
      "tpu.region"() ({
        %run_scoped3A_51 = tpu.sem_alloc : memref<!tpu.dma_semaphore, #tpu.memory_space<semaphore_mem>>
        %dma_start3A = arith.constant 0 : i32
        %dma_start3A_52 = tpu.memref_slice %arg6[%run_scoped3A_23, %dma_start3A] : memref<16x640xf32, #tpu.memory_space<vmem>> -> memref<1x640xf32, #tpu.memory_space<vmem>>
        %dma_start3A_53 = tpu.memref_squeeze %dma_start3A_52 : memref<1x640xf32, #tpu.memory_space<vmem>> -> memref<640xf32, #tpu.memory_space<vmem>>
        %dma_start3A_54 = tpu.memref_slice %arg8[%run_scoped3A_22, %mul3A_14] : memref<16x10240xf32, #tpu.memory_space<vmem_shared>> -> memref<1x640xf32, #tpu.memory_space<vmem_shared>>
        %dma_start3A_55 = tpu.memref_squeeze %dma_start3A_54 : memref<1x640xf32, #tpu.memory_space<vmem_shared>> -> memref<640xf32, #tpu.memory_space<vmem_shared>>
        %dma_start3A_56 = arith.constant 0 : i32
        %dma_start3A_57 = tpu.memref_slice %arg6[%run_scoped3A_23, %dma_start3A_56] : memref<16x640xf32, #tpu.memory_space<vmem>> -> memref<1x640xf32, #tpu.memory_space<vmem>>
        %dma_start3A_58 = tpu.memref_squeeze %dma_start3A_57 : memref<1x640xf32, #tpu.memory_space<vmem>> -> memref<640xf32, #tpu.memory_space<vmem>>
        %dma_start3A_59 = tpu.memref_slice %arg8[%run_scoped3A_22, %mul3A_14] : memref<16x10240xf32, #tpu.memory_space<vmem_shared>> -> memref<1x640xf32, #tpu.memory_space<vmem_shared>>
        %dma_start3A_60 = tpu.memref_squeeze %dma_start3A_59 : memref<1x640xf32, #tpu.memory_space<vmem_shared>> -> memref<640xf32, #tpu.memory_space<vmem_shared>>
        tpu.enqueue_dma source(%dma_start3A_60 : memref<640xf32, #tpu.memory_space<vmem_shared>>) target(%dma_start3A_58 : memref<640xf32, #tpu.memory_space<vmem>>) target_semaphore(%run_scoped3A_51 : memref<!tpu.dma_semaphore, #tpu.memory_space<semaphore_mem>>)
        %dma_wait3A = arith.constant 0 : i32
        %dma_wait3A_61 = tpu.memref_slice %arg6[%run_scoped3A_23, %dma_wait3A] : memref<16x640xf32, #tpu.memory_space<vmem>> -> memref<1x640xf32, #tpu.memory_space<vmem>>
        %dma_wait3A_62 = tpu.memref_squeeze %dma_wait3A_61 : memref<1x640xf32, #tpu.memory_space<vmem>> -> memref<640xf32, #tpu.memory_space<vmem>>
        %dma_wait3A_63 = tpu.memref_slice %arg8[%run_scoped3A_22, %mul3A_14] : memref<16x10240xf32, #tpu.memory_space<vmem_shared>> -> memref<1x640xf32, #tpu.memory_space<vmem_shared>>
        %dma_wait3A_64 = tpu.memref_squeeze %dma_wait3A_63 : memref<1x640xf32, #tpu.memory_space<vmem_shared>> -> memref<640xf32, #tpu.memory_space<vmem_shared>>
        %dma_wait3A_65 = arith.constant 0 : i32
        %dma_wait3A_66 = tpu.memref_slice %arg6[%run_scoped3A_23, %dma_wait3A_65] : memref<16x640xf32, #tpu.memory_space<vmem>> -> memref<1x640xf32, #tpu.memory_space<vmem>>
        %dma_wait3A_67 = tpu.memref_squeeze %dma_wait3A_66 : memref<1x640xf32, #tpu.memory_space<vmem>> -> memref<640xf32, #tpu.memory_space<vmem>>
        %dma_wait3A_68 = tpu.memref_slice %arg8[%run_scoped3A_22, %mul3A_14] : memref<16x10240xf32, #tpu.memory_space<vmem_shared>> -> memref<1x640xf32, #tpu.memory_space<vmem_shared>>
        %dma_wait3A_69 = tpu.memref_squeeze %dma_wait3A_68 : memref<1x640xf32, #tpu.memory_space<vmem_shared>> -> memref<640xf32, #tpu.memory_space<vmem_shared>>
        tpu.wait_dma2 semaphore(%run_scoped3A_51 : memref<!tpu.dma_semaphore, #tpu.memory_space<semaphore_mem>>) src(%dma_wait3A_69 : memref<640xf32, #tpu.memory_space<vmem_shared>>) dst(%dma_wait3A_67 : memref<640xf32, #tpu.memory_space<vmem>>)
        tpu.yield
      }) : () -> ()
      %run_scoped3A_24 = arith.constant 5 : i32
      %run_scoped3A_25 = arith.constant 5 : i32
      "tpu.region"() ({
        %run_scoped3A_51 = tpu.sem_alloc : memref<!tpu.dma_semaphore, #tpu.memory_space<semaphore_mem>>
        %dma_start3A = arith.constant 0 : i32
        %dma_start3A_52 = tpu.memref_slice %arg6[%run_scoped3A_25, %dma_start3A] : memref<16x640xf32, #tpu.memory_space<vmem>> -> memref<1x640xf32, #tpu.memory_space<vmem>>
        %dma_start3A_53 = tpu.memref_squeeze %dma_start3A_52 : memref<1x640xf32, #tpu.memory_space<vmem>> -> memref<640xf32, #tpu.memory_space<vmem>>
        %dma_start3A_54 = tpu.memref_slice %arg8[%run_scoped3A_24, %mul3A_14] : memref<16x10240xf32, #tpu.memory_space<vmem_shared>> -> memref<1x640xf32, #tpu.memory_space<vmem_shared>>
        %dma_start3A_55 = tpu.memref_squeeze %dma_start3A_54 : memref<1x640xf32, #tpu.memory_space<vmem_shared>> -> memref<640xf32, #tpu.memory_space<vmem_shared>>
        %dma_start3A_56 = arith.constant 0 : i32
        %dma_start3A_57 = tpu.memref_slice %arg6[%run_scoped3A_25, %dma_start3A_56] : memref<16x640xf32, #tpu.memory_space<vmem>> -> memref<1x640xf32, #tpu.memory_space<vmem>>
        %dma_start3A_58 = tpu.memref_squeeze %dma_start3A_57 : memref<1x640xf32, #tpu.memory_space<vmem>> -> memref<640xf32, #tpu.memory_space<vmem>>
        %dma_start3A_59 = tpu.memref_slice %arg8[%run_scoped3A_24, %mul3A_14] : memref<16x10240xf32, #tpu.memory_space<vmem_shared>> -> memref<1x640xf32, #tpu.memory_space<vmem_shared>>
        %dma_start3A_60 = tpu.memref_squeeze %dma_start3A_59 : memref<1x640xf32, #tpu.memory_space<vmem_shared>> -> memref<640xf32, #tpu.memory_space<vmem_shared>>
        tpu.enqueue_dma source(%dma_start3A_60 : memref<640xf32, #tpu.memory_space<vmem_shared>>) target(%dma_start3A_58 : memref<640xf32, #tpu.memory_space<vmem>>) target_semaphore(%run_scoped3A_51 : memref<!tpu.dma_semaphore, #tpu.memory_space<semaphore_mem>>)
        %dma_wait3A = arith.constant 0 : i32
        %dma_wait3A_61 = tpu.memref_slice %arg6[%run_scoped3A_25, %dma_wait3A] : memref<16x640xf32, #tpu.memory_space<vmem>> -> memref<1x640xf32, #tpu.memory_space<vmem>>
        %dma_wait3A_62 = tpu.memref_squeeze %dma_wait3A_61 : memref<1x640xf32, #tpu.memory_space<vmem>> -> memref<640xf32, #tpu.memory_space<vmem>>
        %dma_wait3A_63 = tpu.memref_slice %arg8[%run_scoped3A_24, %mul3A_14] : memref<16x10240xf32, #tpu.memory_space<vmem_shared>> -> memref<1x640xf32, #tpu.memory_space<vmem_shared>>
        %dma_wait3A_64 = tpu.memref_squeeze %dma_wait3A_63 : memref<1x640xf32, #tpu.memory_space<vmem_shared>> -> memref<640xf32, #tpu.memory_space<vmem_shared>>
        %dma_wait3A_65 = arith.constant 0 : i32
        %dma_wait3A_66 = tpu.memref_slice %arg6[%run_scoped3A_25, %dma_wait3A_65] : memref<16x640xf32, #tpu.memory_space<vmem>> -> memref<1x640xf32, #tpu.memory_space<vmem>>
        %dma_wait3A_67 = tpu.memref_squeeze %dma_wait3A_66 : memref<1x640xf32, #tpu.memory_space<vmem>> -> memref<640xf32, #tpu.memory_space<vmem>>
        %dma_wait3A_68 = tpu.memref_slice %arg8[%run_scoped3A_24, %mul3A_14] : memref<16x10240xf32, #tpu.memory_space<vmem_shared>> -> memref<1x640xf32, #tpu.memory_space<vmem_shared>>
        %dma_wait3A_69 = tpu.memref_squeeze %dma_wait3A_68 : memref<1x640xf32, #tpu.memory_space<vmem_shared>> -> memref<640xf32, #tpu.memory_space<vmem_shared>>
        tpu.wait_dma2 semaphore(%run_scoped3A_51 : memref<!tpu.dma_semaphore, #tpu.memory_space<semaphore_mem>>) src(%dma_wait3A_69 : memref<640xf32, #tpu.memory_space<vmem_shared>>) dst(%dma_wait3A_67 : memref<640xf32, #tpu.memory_space<vmem>>)
        tpu.yield
      }) : () -> ()
      %run_scoped3A_26 = arith.constant 6 : i32
      %run_scoped3A_27 = arith.constant 6 : i32
      "tpu.region"() ({
        %run_scoped3A_51 = tpu.sem_alloc : memref<!tpu.dma_semaphore, #tpu.memory_space<semaphore_mem>>
        %dma_start3A = arith.constant 0 : i32
        %dma_start3A_52 = tpu.memref_slice %arg6[%run_scoped3A_27, %dma_start3A] : memref<16x640xf32, #tpu.memory_space<vmem>> -> memref<1x640xf32, #tpu.memory_space<vmem>>
        %dma_start3A_53 = tpu.memref_squeeze %dma_start3A_52 : memref<1x640xf32, #tpu.memory_space<vmem>> -> memref<640xf32, #tpu.memory_space<vmem>>
        %dma_start3A_54 = tpu.memref_slice %arg8[%run_scoped3A_26, %mul3A_14] : memref<16x10240xf32, #tpu.memory_space<vmem_shared>> -> memref<1x640xf32, #tpu.memory_space<vmem_shared>>
        %dma_start3A_55 = tpu.memref_squeeze %dma_start3A_54 : memref<1x640xf32, #tpu.memory_space<vmem_shared>> -> memref<640xf32, #tpu.memory_space<vmem_shared>>
        %dma_start3A_56 = arith.constant 0 : i32
        %dma_start3A_57 = tpu.memref_slice %arg6[%run_scoped3A_27, %dma_start3A_56] : memref<16x640xf32, #tpu.memory_space<vmem>> -> memref<1x640xf32, #tpu.memory_space<vmem>>
        %dma_start3A_58 = tpu.memref_squeeze %dma_start3A_57 : memref<1x640xf32, #tpu.memory_space<vmem>> -> memref<640xf32, #tpu.memory_space<vmem>>
        %dma_start3A_59 = tpu.memref_slice %arg8[%run_scoped3A_26, %mul3A_14] : memref<16x10240xf32, #tpu.memory_space<vmem_shared>> -> memref<1x640xf32, #tpu.memory_space<vmem_shared>>
        %dma_start3A_60 = tpu.memref_squeeze %dma_start3A_59 : memref<1x640xf32, #tpu.memory_space<vmem_shared>> -> memref<640xf32, #tpu.memory_space<vmem_shared>>
        tpu.enqueue_dma source(%dma_start3A_60 : memref<640xf32, #tpu.memory_space<vmem_shared>>) target(%dma_start3A_58 : memref<640xf32, #tpu.memory_space<vmem>>) target_semaphore(%run_scoped3A_51 : memref<!tpu.dma_semaphore, #tpu.memory_space<semaphore_mem>>)
        %dma_wait3A = arith.constant 0 : i32
        %dma_wait3A_61 = tpu.memref_slice %arg6[%run_scoped3A_27, %dma_wait3A] : memref<16x640xf32, #tpu.memory_space<vmem>> -> memref<1x640xf32, #tpu.memory_space<vmem>>
        %dma_wait3A_62 = tpu.memref_squeeze %dma_wait3A_61 : memref<1x640xf32, #tpu.memory_space<vmem>> -> memref<640xf32, #tpu.memory_space<vmem>>
        %dma_wait3A_63 = tpu.memref_slice %arg8[%run_scoped3A_26, %mul3A_14] : memref<16x10240xf32, #tpu.memory_space<vmem_shared>> -> memref<1x640xf32, #tpu.memory_space<vmem_shared>>
        %dma_wait3A_64 = tpu.memref_squeeze %dma_wait3A_63 : memref<1x640xf32, #tpu.memory_space<vmem_shared>> -> memref<640xf32, #tpu.memory_space<vmem_shared>>
        %dma_wait3A_65 = arith.constant 0 : i32
        %dma_wait3A_66 = tpu.memref_slice %arg6[%run_scoped3A_27, %dma_wait3A_65] : memref<16x640xf32, #tpu.memory_space<vmem>> -> memref<1x640xf32, #tpu.memory_space<vmem>>
        %dma_wait3A_67 = tpu.memref_squeeze %dma_wait3A_66 : memref<1x640xf32, #tpu.memory_space<vmem>> -> memref<640xf32, #tpu.memory_space<vmem>>
        %dma_wait3A_68 = tpu.memref_slice %arg8[%run_scoped3A_26, %mul3A_14] : memref<16x10240xf32, #tpu.memory_space<vmem_shared>> -> memref<1x640xf32, #tpu.memory_space<vmem_shared>>
        %dma_wait3A_69 = tpu.memref_squeeze %dma_wait3A_68 : memref<1x640xf32, #tpu.memory_space<vmem_shared>> -> memref<640xf32, #tpu.memory_space<vmem_shared>>
        tpu.wait_dma2 semaphore(%run_scoped3A_51 : memref<!tpu.dma_semaphore, #tpu.memory_space<semaphore_mem>>) src(%dma_wait3A_69 : memref<640xf32, #tpu.memory_space<vmem_shared>>) dst(%dma_wait3A_67 : memref<640xf32, #tpu.memory_space<vmem>>)
        tpu.yield
      }) : () -> ()
      %run_scoped3A_28 = arith.constant 7 : i32
      %run_scoped3A_29 = arith.constant 7 : i32
      "tpu.region"() ({
        %run_scoped3A_51 = tpu.sem_alloc : memref<!tpu.dma_semaphore, #tpu.memory_space<semaphore_mem>>
        %dma_start3A = arith.constant 0 : i32
        %dma_start3A_52 = tpu.memref_slice %arg6[%run_scoped3A_29, %dma_start3A] : memref<16x640xf32, #tpu.memory_space<vmem>> -> memref<1x640xf32, #tpu.memory_space<vmem>>
        %dma_start3A_53 = tpu.memref_squeeze %dma_start3A_52 : memref<1x640xf32, #tpu.memory_space<vmem>> -> memref<640xf32, #tpu.memory_space<vmem>>
        %dma_start3A_54 = tpu.memref_slice %arg8[%run_scoped3A_28, %mul3A_14] : memref<16x10240xf32, #tpu.memory_space<vmem_shared>> -> memref<1x640xf32, #tpu.memory_space<vmem_shared>>
        %dma_start3A_55 = tpu.memref_squeeze %dma_start3A_54 : memref<1x640xf32, #tpu.memory_space<vmem_shared>> -> memref<640xf32, #tpu.memory_space<vmem_shared>>
        %dma_start3A_56 = arith.constant 0 : i32
        %dma_start3A_57 = tpu.memref_slice %arg6[%run_scoped3A_29, %dma_start3A_56] : memref<16x640xf32, #tpu.memory_space<vmem>> -> memref<1x640xf32, #tpu.memory_space<vmem>>
        %dma_start3A_58 = tpu.memref_squeeze %dma_start3A_57 : memref<1x640xf32, #tpu.memory_space<vmem>> -> memref<640xf32, #tpu.memory_space<vmem>>
        %dma_start3A_59 = tpu.memref_slice %arg8[%run_scoped3A_28, %mul3A_14] : memref<16x10240xf32, #tpu.memory_space<vmem_shared>> -> memref<1x640xf32, #tpu.memory_space<vmem_shared>>
        %dma_start3A_60 = tpu.memref_squeeze %dma_start3A_59 : memref<1x640xf32, #tpu.memory_space<vmem_shared>> -> memref<640xf32, #tpu.memory_space<vmem_shared>>
        tpu.enqueue_dma source(%dma_start3A_60 : memref<640xf32, #tpu.memory_space<vmem_shared>>) target(%dma_start3A_58 : memref<640xf32, #tpu.memory_space<vmem>>) target_semaphore(%run_scoped3A_51 : memref<!tpu.dma_semaphore, #tpu.memory_space<semaphore_mem>>)
        %dma_wait3A = arith.constant 0 : i32
        %dma_wait3A_61 = tpu.memref_slice %arg6[%run_scoped3A_29, %dma_wait3A] : memref<16x640xf32, #tpu.memory_space<vmem>> -> memref<1x640xf32, #tpu.memory_space<vmem>>
        %dma_wait3A_62 = tpu.memref_squeeze %dma_wait3A_61 : memref<1x640xf32, #tpu.memory_space<vmem>> -> memref<640xf32, #tpu.memory_space<vmem>>
        %dma_wait3A_63 = tpu.memref_slice %arg8[%run_scoped3A_28, %mul3A_14] : memref<16x10240xf32, #tpu.memory_space<vmem_shared>> -> memref<1x640xf32, #tpu.memory_space<vmem_shared>>
        %dma_wait3A_64 = tpu.memref_squeeze %dma_wait3A_63 : memref<1x640xf32, #tpu.memory_space<vmem_shared>> -> memref<640xf32, #tpu.memory_space<vmem_shared>>
        %dma_wait3A_65 = arith.constant 0 : i32
        %dma_wait3A_66 = tpu.memref_slice %arg6[%run_scoped3A_29, %dma_wait3A_65] : memref<16x640xf32, #tpu.memory_space<vmem>> -> memref<1x640xf32, #tpu.memory_space<vmem>>
        %dma_wait3A_67 = tpu.memref_squeeze %dma_wait3A_66 : memref<1x640xf32, #tpu.memory_space<vmem>> -> memref<640xf32, #tpu.memory_space<vmem>>
        %dma_wait3A_68 = tpu.memref_slice %arg8[%run_scoped3A_28, %mul3A_14] : memref<16x10240xf32, #tpu.memory_space<vmem_shared>> -> memref<1x640xf32, #tpu.memory_space<vmem_shared>>
        %dma_wait3A_69 = tpu.memref_squeeze %dma_wait3A_68 : memref<1x640xf32, #tpu.memory_space<vmem_shared>> -> memref<640xf32, #tpu.memory_space<vmem_shared>>
        tpu.wait_dma2 semaphore(%run_scoped3A_51 : memref<!tpu.dma_semaphore, #tpu.memory_space<semaphore_mem>>) src(%dma_wait3A_69 : memref<640xf32, #tpu.memory_space<vmem_shared>>) dst(%dma_wait3A_67 : memref<640xf32, #tpu.memory_space<vmem>>)
        tpu.yield
      }) : () -> ()
      %run_scoped3A_30 = arith.constant 8 : i32
      %run_scoped3A_31 = arith.constant 8 : i32
      "tpu.region"() ({
        %run_scoped3A_51 = tpu.sem_alloc : memref<!tpu.dma_semaphore, #tpu.memory_space<semaphore_mem>>
        %dma_start3A = arith.constant 0 : i32
        %dma_start3A_52 = tpu.memref_slice %arg6[%run_scoped3A_31, %dma_start3A] : memref<16x640xf32, #tpu.memory_space<vmem>> -> memref<1x640xf32, #tpu.memory_space<vmem>>
        %dma_start3A_53 = tpu.memref_squeeze %dma_start3A_52 : memref<1x640xf32, #tpu.memory_space<vmem>> -> memref<640xf32, #tpu.memory_space<vmem>>
        %dma_start3A_54 = tpu.memref_slice %arg8[%run_scoped3A_30, %mul3A_14] : memref<16x10240xf32, #tpu.memory_space<vmem_shared>> -> memref<1x640xf32, #tpu.memory_space<vmem_shared>>
        %dma_start3A_55 = tpu.memref_squeeze %dma_start3A_54 : memref<1x640xf32, #tpu.memory_space<vmem_shared>> -> memref<640xf32, #tpu.memory_space<vmem_shared>>
        %dma_start3A_56 = arith.constant 0 : i32
        %dma_start3A_57 = tpu.memref_slice %arg6[%run_scoped3A_31, %dma_start3A_56] : memref<16x640xf32, #tpu.memory_space<vmem>> -> memref<1x640xf32, #tpu.memory_space<vmem>>
        %dma_start3A_58 = tpu.memref_squeeze %dma_start3A_57 : memref<1x640xf32, #tpu.memory_space<vmem>> -> memref<640xf32, #tpu.memory_space<vmem>>
        %dma_start3A_59 = tpu.memref_slice %arg8[%run_scoped3A_30, %mul3A_14] : memref<16x10240xf32, #tpu.memory_space<vmem_shared>> -> memref<1x640xf32, #tpu.memory_space<vmem_shared>>
        %dma_start3A_60 = tpu.memref_squeeze %dma_start3A_59 : memref<1x640xf32, #tpu.memory_space<vmem_shared>> -> memref<640xf32, #tpu.memory_space<vmem_shared>>
        tpu.enqueue_dma source(%dma_start3A_60 : memref<640xf32, #tpu.memory_space<vmem_shared>>) target(%dma_start3A_58 : memref<640xf32, #tpu.memory_space<vmem>>) target_semaphore(%run_scoped3A_51 : memref<!tpu.dma_semaphore, #tpu.memory_space<semaphore_mem>>)
        %dma_wait3A = arith.constant 0 : i32
        %dma_wait3A_61 = tpu.memref_slice %arg6[%run_scoped3A_31, %dma_wait3A] : memref<16x640xf32, #tpu.memory_space<vmem>> -> memref<1x640xf32, #tpu.memory_space<vmem>>
        %dma_wait3A_62 = tpu.memref_squeeze %dma_wait3A_61 : memref<1x640xf32, #tpu.memory_space<vmem>> -> memref<640xf32, #tpu.memory_space<vmem>>
        %dma_wait3A_63 = tpu.memref_slice %arg8[%run_scoped3A_30, %mul3A_14] : memref<16x10240xf32, #tpu.memory_space<vmem_shared>> -> memref<1x640xf32, #tpu.memory_space<vmem_shared>>
        %dma_wait3A_64 = tpu.memref_squeeze %dma_wait3A_63 : memref<1x640xf32, #tpu.memory_space<vmem_shared>> -> memref<640xf32, #tpu.memory_space<vmem_shared>>
        %dma_wait3A_65 = arith.constant 0 : i32
        %dma_wait3A_66 = tpu.memref_slice %arg6[%run_scoped3A_31, %dma_wait3A_65] : memref<16x640xf32, #tpu.memory_space<vmem>> -> memref<1x640xf32, #tpu.memory_space<vmem>>
        %dma_wait3A_67 = tpu.memref_squeeze %dma_wait3A_66 : memref<1x640xf32, #tpu.memory_space<vmem>> -> memref<640xf32, #tpu.memory_space<vmem>>
        %dma_wait3A_68 = tpu.memref_slice %arg8[%run_scoped3A_30, %mul3A_14] : memref<16x10240xf32, #tpu.memory_space<vmem_shared>> -> memref<1x640xf32, #tpu.memory_space<vmem_shared>>
        %dma_wait3A_69 = tpu.memref_squeeze %dma_wait3A_68 : memref<1x640xf32, #tpu.memory_space<vmem_shared>> -> memref<640xf32, #tpu.memory_space<vmem_shared>>
        tpu.wait_dma2 semaphore(%run_scoped3A_51 : memref<!tpu.dma_semaphore, #tpu.memory_space<semaphore_mem>>) src(%dma_wait3A_69 : memref<640xf32, #tpu.memory_space<vmem_shared>>) dst(%dma_wait3A_67 : memref<640xf32, #tpu.memory_space<vmem>>)
        tpu.yield
      }) : () -> ()
      %run_scoped3A_32 = arith.constant 9 : i32
      %run_scoped3A_33 = arith.constant 9 : i32
      "tpu.region"() ({
        %run_scoped3A_51 = tpu.sem_alloc : memref<!tpu.dma_semaphore, #tpu.memory_space<semaphore_mem>>
        %dma_start3A = arith.constant 0 : i32
        %dma_start3A_52 = tpu.memref_slice %arg6[%run_scoped3A_33, %dma_start3A] : memref<16x640xf32, #tpu.memory_space<vmem>> -> memref<1x640xf32, #tpu.memory_space<vmem>>
        %dma_start3A_53 = tpu.memref_squeeze %dma_start3A_52 : memref<1x640xf32, #tpu.memory_space<vmem>> -> memref<640xf32, #tpu.memory_space<vmem>>
        %dma_start3A_54 = tpu.memref_slice %arg8[%run_scoped3A_32, %mul3A_14] : memref<16x10240xf32, #tpu.memory_space<vmem_shared>> -> memref<1x640xf32, #tpu.memory_space<vmem_shared>>
        %dma_start3A_55 = tpu.memref_squeeze %dma_start3A_54 : memref<1x640xf32, #tpu.memory_space<vmem_shared>> -> memref<640xf32, #tpu.memory_space<vmem_shared>>
        %dma_start3A_56 = arith.constant 0 : i32
        %dma_start3A_57 = tpu.memref_slice %arg6[%run_scoped3A_33, %dma_start3A_56] : memref<16x640xf32, #tpu.memory_space<vmem>> -> memref<1x640xf32, #tpu.memory_space<vmem>>
        %dma_start3A_58 = tpu.memref_squeeze %dma_start3A_57 : memref<1x640xf32, #tpu.memory_space<vmem>> -> memref<640xf32, #tpu.memory_space<vmem>>
        %dma_start3A_59 = tpu.memref_slice %arg8[%run_scoped3A_32, %mul3A_14] : memref<16x10240xf32, #tpu.memory_space<vmem_shared>> -> memref<1x640xf32, #tpu.memory_space<vmem_shared>>
        %dma_start3A_60 = tpu.memref_squeeze %dma_start3A_59 : memref<1x640xf32, #tpu.memory_space<vmem_shared>> -> memref<640xf32, #tpu.memory_space<vmem_shared>>
        tpu.enqueue_dma source(%dma_start3A_60 : memref<640xf32, #tpu.memory_space<vmem_shared>>) target(%dma_start3A_58 : memref<640xf32, #tpu.memory_space<vmem>>) target_semaphore(%run_scoped3A_51 : memref<!tpu.dma_semaphore, #tpu.memory_space<semaphore_mem>>)
        %dma_wait3A = arith.constant 0 : i32
        %dma_wait3A_61 = tpu.memref_slice %arg6[%run_scoped3A_33, %dma_wait3A] : memref<16x640xf32, #tpu.memory_space<vmem>> -> memref<1x640xf32, #tpu.memory_space<vmem>>
        %dma_wait3A_62 = tpu.memref_squeeze %dma_wait3A_61 : memref<1x640xf32, #tpu.memory_space<vmem>> -> memref<640xf32, #tpu.memory_space<vmem>>
        %dma_wait3A_63 = tpu.memref_slice %arg8[%run_scoped3A_32, %mul3A_14] : memref<16x10240xf32, #tpu.memory_space<vmem_shared>> -> memref<1x640xf32, #tpu.memory_space<vmem_shared>>
        %dma_wait3A_64 = tpu.memref_squeeze %dma_wait3A_63 : memref<1x640xf32, #tpu.memory_space<vmem_shared>> -> memref<640xf32, #tpu.memory_space<vmem_shared>>
        %dma_wait3A_65 = arith.constant 0 : i32
        %dma_wait3A_66 = tpu.memref_slice %arg6[%run_scoped3A_33, %dma_wait3A_65] : memref<16x640xf32, #tpu.memory_space<vmem>> -> memref<1x640xf32, #tpu.memory_space<vmem>>
        %dma_wait3A_67 = tpu.memref_squeeze %dma_wait3A_66 : memref<1x640xf32, #tpu.memory_space<vmem>> -> memref<640xf32, #tpu.memory_space<vmem>>
        %dma_wait3A_68 = tpu.memref_slice %arg8[%run_scoped3A_32, %mul3A_14] : memref<16x10240xf32, #tpu.memory_space<vmem_shared>> -> memref<1x640xf32, #tpu.memory_space<vmem_shared>>
        %dma_wait3A_69 = tpu.memref_squeeze %dma_wait3A_68 : memref<1x640xf32, #tpu.memory_space<vmem_shared>> -> memref<640xf32, #tpu.memory_space<vmem_shared>>
        tpu.wait_dma2 semaphore(%run_scoped3A_51 : memref<!tpu.dma_semaphore, #tpu.memory_space<semaphore_mem>>) src(%dma_wait3A_69 : memref<640xf32, #tpu.memory_space<vmem_shared>>) dst(%dma_wait3A_67 : memref<640xf32, #tpu.memory_space<vmem>>)
        tpu.yield
      }) : () -> ()
      %run_scoped3A_34 = arith.constant 10 : i32
      %run_scoped3A_35 = arith.constant 10 : i32
      "tpu.region"() ({
        %run_scoped3A_51 = tpu.sem_alloc : memref<!tpu.dma_semaphore, #tpu.memory_space<semaphore_mem>>
        %dma_start3A = arith.constant 0 : i32
        %dma_start3A_52 = tpu.memref_slice %arg6[%run_scoped3A_35, %dma_start3A] : memref<16x640xf32, #tpu.memory_space<vmem>> -> memref<1x640xf32, #tpu.memory_space<vmem>>
        %dma_start3A_53 = tpu.memref_squeeze %dma_start3A_52 : memref<1x640xf32, #tpu.memory_space<vmem>> -> memref<640xf32, #tpu.memory_space<vmem>>
        %dma_start3A_54 = tpu.memref_slice %arg8[%run_scoped3A_34, %mul3A_14] : memref<16x10240xf32, #tpu.memory_space<vmem_shared>> -> memref<1x640xf32, #tpu.memory_space<vmem_shared>>
        %dma_start3A_55 = tpu.memref_squeeze %dma_start3A_54 : memref<1x640xf32, #tpu.memory_space<vmem_shared>> -> memref<640xf32, #tpu.memory_space<vmem_shared>>
        %dma_start3A_56 = arith.constant 0 : i32
        %dma_start3A_57 = tpu.memref_slice %arg6[%run_scoped3A_35, %dma_start3A_56] : memref<16x640xf32, #tpu.memory_space<vmem>> -> memref<1x640xf32, #tpu.memory_space<vmem>>
        %dma_start3A_58 = tpu.memref_squeeze %dma_start3A_57 : memref<1x640xf32, #tpu.memory_space<vmem>> -> memref<640xf32, #tpu.memory_space<vmem>>
        %dma_start3A_59 = tpu.memref_slice %arg8[%run_scoped3A_34, %mul3A_14] : memref<16x10240xf32, #tpu.memory_space<vmem_shared>> -> memref<1x640xf32, #tpu.memory_space<vmem_shared>>
        %dma_start3A_60 = tpu.memref_squeeze %dma_start3A_59 : memref<1x640xf32, #tpu.memory_space<vmem_shared>> -> memref<640xf32, #tpu.memory_space<vmem_shared>>
        tpu.enqueue_dma source(%dma_start3A_60 : memref<640xf32, #tpu.memory_space<vmem_shared>>) target(%dma_start3A_58 : memref<640xf32, #tpu.memory_space<vmem>>) target_semaphore(%run_scoped3A_51 : memref<!tpu.dma_semaphore, #tpu.memory_space<semaphore_mem>>)
        %dma_wait3A = arith.constant 0 : i32
        %dma_wait3A_61 = tpu.memref_slice %arg6[%run_scoped3A_35, %dma_wait3A] : memref<16x640xf32, #tpu.memory_space<vmem>> -> memref<1x640xf32, #tpu.memory_space<vmem>>
        %dma_wait3A_62 = tpu.memref_squeeze %dma_wait3A_61 : memref<1x640xf32, #tpu.memory_space<vmem>> -> memref<640xf32, #tpu.memory_space<vmem>>
        %dma_wait3A_63 = tpu.memref_slice %arg8[%run_scoped3A_34, %mul3A_14] : memref<16x10240xf32, #tpu.memory_space<vmem_shared>> -> memref<1x640xf32, #tpu.memory_space<vmem_shared>>
        %dma_wait3A_64 = tpu.memref_squeeze %dma_wait3A_63 : memref<1x640xf32, #tpu.memory_space<vmem_shared>> -> memref<640xf32, #tpu.memory_space<vmem_shared>>
        %dma_wait3A_65 = arith.constant 0 : i32
        %dma_wait3A_66 = tpu.memref_slice %arg6[%run_scoped3A_35, %dma_wait3A_65] : memref<16x640xf32, #tpu.memory_space<vmem>> -> memref<1x640xf32, #tpu.memory_space<vmem>>
        %dma_wait3A_67 = tpu.memref_squeeze %dma_wait3A_66 : memref<1x640xf32, #tpu.memory_space<vmem>> -> memref<640xf32, #tpu.memory_space<vmem>>
        %dma_wait3A_68 = tpu.memref_slice %arg8[%run_scoped3A_34, %mul3A_14] : memref<16x10240xf32, #tpu.memory_space<vmem_shared>> -> memref<1x640xf32, #tpu.memory_space<vmem_shared>>
        %dma_wait3A_69 = tpu.memref_squeeze %dma_wait3A_68 : memref<1x640xf32, #tpu.memory_space<vmem_shared>> -> memref<640xf32, #tpu.memory_space<vmem_shared>>
        tpu.wait_dma2 semaphore(%run_scoped3A_51 : memref<!tpu.dma_semaphore, #tpu.memory_space<semaphore_mem>>) src(%dma_wait3A_69 : memref<640xf32, #tpu.memory_space<vmem_shared>>) dst(%dma_wait3A_67 : memref<640xf32, #tpu.memory_space<vmem>>)
        tpu.yield
      }) : () -> ()
      %run_scoped3A_36 = arith.constant 11 : i32
      %run_scoped3A_37 = arith.constant 11 : i32
      "tpu.region"() ({
        %run_scoped3A_51 = tpu.sem_alloc : memref<!tpu.dma_semaphore, #tpu.memory_space<semaphore_mem>>
        %dma_start3A = arith.constant 0 : i32
        %dma_start3A_52 = tpu.memref_slice %arg6[%run_scoped3A_37, %dma_start3A] : memref<16x640xf32, #tpu.memory_space<vmem>> -> memref<1x640xf32, #tpu.memory_space<vmem>>
        %dma_start3A_53 = tpu.memref_squeeze %dma_start3A_52 : memref<1x640xf32, #tpu.memory_space<vmem>> -> memref<640xf32, #tpu.memory_space<vmem>>
        %dma_start3A_54 = tpu.memref_slice %arg8[%run_scoped3A_36, %mul3A_14] : memref<16x10240xf32, #tpu.memory_space<vmem_shared>> -> memref<1x640xf32, #tpu.memory_space<vmem_shared>>
        %dma_start3A_55 = tpu.memref_squeeze %dma_start3A_54 : memref<1x640xf32, #tpu.memory_space<vmem_shared>> -> memref<640xf32, #tpu.memory_space<vmem_shared>>
        %dma_start3A_56 = arith.constant 0 : i32
        %dma_start3A_57 = tpu.memref_slice %arg6[%run_scoped3A_37, %dma_start3A_56] : memref<16x640xf32, #tpu.memory_space<vmem>> -> memref<1x640xf32, #tpu.memory_space<vmem>>
        %dma_start3A_58 = tpu.memref_squeeze %dma_start3A_57 : memref<1x640xf32, #tpu.memory_space<vmem>> -> memref<640xf32, #tpu.memory_space<vmem>>
        %dma_start3A_59 = tpu.memref_slice %arg8[%run_scoped3A_36, %mul3A_14] : memref<16x10240xf32, #tpu.memory_space<vmem_shared>> -> memref<1x640xf32, #tpu.memory_space<vmem_shared>>
        %dma_start3A_60 = tpu.memref_squeeze %dma_start3A_59 : memref<1x640xf32, #tpu.memory_space<vmem_shared>> -> memref<640xf32, #tpu.memory_space<vmem_shared>>
        tpu.enqueue_dma source(%dma_start3A_60 : memref<640xf32, #tpu.memory_space<vmem_shared>>) target(%dma_start3A_58 : memref<640xf32, #tpu.memory_space<vmem>>) target_semaphore(%run_scoped3A_51 : memref<!tpu.dma_semaphore, #tpu.memory_space<semaphore_mem>>)
        %dma_wait3A = arith.constant 0 : i32
        %dma_wait3A_61 = tpu.memref_slice %arg6[%run_scoped3A_37, %dma_wait3A] : memref<16x640xf32, #tpu.memory_space<vmem>> -> memref<1x640xf32, #tpu.memory_space<vmem>>
        %dma_wait3A_62 = tpu.memref_squeeze %dma_wait3A_61 : memref<1x640xf32, #tpu.memory_space<vmem>> -> memref<640xf32, #tpu.memory_space<vmem>>
        %dma_wait3A_63 = tpu.memref_slice %arg8[%run_scoped3A_36, %mul3A_14] : memref<16x10240xf32, #tpu.memory_space<vmem_shared>> -> memref<1x640xf32, #tpu.memory_space<vmem_shared>>
        %dma_wait3A_64 = tpu.memref_squeeze %dma_wait3A_63 : memref<1x640xf32, #tpu.memory_space<vmem_shared>> -> memref<640xf32, #tpu.memory_space<vmem_shared>>
        %dma_wait3A_65 = arith.constant 0 : i32
        %dma_wait3A_66 = tpu.memref_slice %arg6[%run_scoped3A_37, %dma_wait3A_65] : memref<16x640xf32, #tpu.memory_space<vmem>> -> memref<1x640xf32, #tpu.memory_space<vmem>>
        %dma_wait3A_67 = tpu.memref_squeeze %dma_wait3A_66 : memref<1x640xf32, #tpu.memory_space<vmem>> -> memref<640xf32, #tpu.memory_space<vmem>>
        %dma_wait3A_68 = tpu.memref_slice %arg8[%run_scoped3A_36, %mul3A_14] : memref<16x10240xf32, #tpu.memory_space<vmem_shared>> -> memref<1x640xf32, #tpu.memory_space<vmem_shared>>
        %dma_wait3A_69 = tpu.memref_squeeze %dma_wait3A_68 : memref<1x640xf32, #tpu.memory_space<vmem_shared>> -> memref<640xf32, #tpu.memory_space<vmem_shared>>
        tpu.wait_dma2 semaphore(%run_scoped3A_51 : memref<!tpu.dma_semaphore, #tpu.memory_space<semaphore_mem>>) src(%dma_wait3A_69 : memref<640xf32, #tpu.memory_space<vmem_shared>>) dst(%dma_wait3A_67 : memref<640xf32, #tpu.memory_space<vmem>>)
        tpu.yield
      }) : () -> ()
      %run_scoped3A_38 = arith.constant 12 : i32
      %run_scoped3A_39 = arith.constant 12 : i32
      "tpu.region"() ({
        %run_scoped3A_51 = tpu.sem_alloc : memref<!tpu.dma_semaphore, #tpu.memory_space<semaphore_mem>>
        %dma_start3A = arith.constant 0 : i32
        %dma_start3A_52 = tpu.memref_slice %arg6[%run_scoped3A_39, %dma_start3A] : memref<16x640xf32, #tpu.memory_space<vmem>> -> memref<1x640xf32, #tpu.memory_space<vmem>>
        %dma_start3A_53 = tpu.memref_squeeze %dma_start3A_52 : memref<1x640xf32, #tpu.memory_space<vmem>> -> memref<640xf32, #tpu.memory_space<vmem>>
        %dma_start3A_54 = tpu.memref_slice %arg8[%run_scoped3A_38, %mul3A_14] : memref<16x10240xf32, #tpu.memory_space<vmem_shared>> -> memref<1x640xf32, #tpu.memory_space<vmem_shared>>
        %dma_start3A_55 = tpu.memref_squeeze %dma_start3A_54 : memref<1x640xf32, #tpu.memory_space<vmem_shared>> -> memref<640xf32, #tpu.memory_space<vmem_shared>>
        %dma_start3A_56 = arith.constant 0 : i32
        %dma_start3A_57 = tpu.memref_slice %arg6[%run_scoped3A_39, %dma_start3A_56] : memref<16x640xf32, #tpu.memory_space<vmem>> -> memref<1x640xf32, #tpu.memory_space<vmem>>
        %dma_start3A_58 = tpu.memref_squeeze %dma_start3A_57 : memref<1x640xf32, #tpu.memory_space<vmem>> -> memref<640xf32, #tpu.memory_space<vmem>>
        %dma_start3A_59 = tpu.memref_slice %arg8[%run_scoped3A_38, %mul3A_14] : memref<16x10240xf32, #tpu.memory_space<vmem_shared>> -> memref<1x640xf32, #tpu.memory_space<vmem_shared>>
        %dma_start3A_60 = tpu.memref_squeeze %dma_start3A_59 : memref<1x640xf32, #tpu.memory_space<vmem_shared>> -> memref<640xf32, #tpu.memory_space<vmem_shared>>
        tpu.enqueue_dma source(%dma_start3A_60 : memref<640xf32, #tpu.memory_space<vmem_shared>>) target(%dma_start3A_58 : memref<640xf32, #tpu.memory_space<vmem>>) target_semaphore(%run_scoped3A_51 : memref<!tpu.dma_semaphore, #tpu.memory_space<semaphore_mem>>)
        %dma_wait3A = arith.constant 0 : i32
        %dma_wait3A_61 = tpu.memref_slice %arg6[%run_scoped3A_39, %dma_wait3A] : memref<16x640xf32, #tpu.memory_space<vmem>> -> memref<1x640xf32, #tpu.memory_space<vmem>>
        %dma_wait3A_62 = tpu.memref_squeeze %dma_wait3A_61 : memref<1x640xf32, #tpu.memory_space<vmem>> -> memref<640xf32, #tpu.memory_space<vmem>>
        %dma_wait3A_63 = tpu.memref_slice %arg8[%run_scoped3A_38, %mul3A_14] : memref<16x10240xf32, #tpu.memory_space<vmem_shared>> -> memref<1x640xf32, #tpu.memory_space<vmem_shared>>
        %dma_wait3A_64 = tpu.memref_squeeze %dma_wait3A_63 : memref<1x640xf32, #tpu.memory_space<vmem_shared>> -> memref<640xf32, #tpu.memory_space<vmem_shared>>
        %dma_wait3A_65 = arith.constant 0 : i32
        %dma_wait3A_66 = tpu.memref_slice %arg6[%run_scoped3A_39, %dma_wait3A_65] : memref<16x640xf32, #tpu.memory_space<vmem>> -> memref<1x640xf32, #tpu.memory_space<vmem>>
        %dma_wait3A_67 = tpu.memref_squeeze %dma_wait3A_66 : memref<1x640xf32, #tpu.memory_space<vmem>> -> memref<640xf32, #tpu.memory_space<vmem>>
        %dma_wait3A_68 = tpu.memref_slice %arg8[%run_scoped3A_38, %mul3A_14] : memref<16x10240xf32, #tpu.memory_space<vmem_shared>> -> memref<1x640xf32, #tpu.memory_space<vmem_shared>>
        %dma_wait3A_69 = tpu.memref_squeeze %dma_wait3A_68 : memref<1x640xf32, #tpu.memory_space<vmem_shared>> -> memref<640xf32, #tpu.memory_space<vmem_shared>>
        tpu.wait_dma2 semaphore(%run_scoped3A_51 : memref<!tpu.dma_semaphore, #tpu.memory_space<semaphore_mem>>) src(%dma_wait3A_69 : memref<640xf32, #tpu.memory_space<vmem_shared>>) dst(%dma_wait3A_67 : memref<640xf32, #tpu.memory_space<vmem>>)
        tpu.yield
      }) : () -> ()
      %run_scoped3A_40 = arith.constant 13 : i32
      %run_scoped3A_41 = arith.constant 13 : i32
      "tpu.region"() ({
        %run_scoped3A_51 = tpu.sem_alloc : memref<!tpu.dma_semaphore, #tpu.memory_space<semaphore_mem>>
        %dma_start3A = arith.constant 0 : i32
        %dma_start3A_52 = tpu.memref_slice %arg6[%run_scoped3A_41, %dma_start3A] : memref<16x640xf32, #tpu.memory_space<vmem>> -> memref<1x640xf32, #tpu.memory_space<vmem>>
        %dma_start3A_53 = tpu.memref_squeeze %dma_start3A_52 : memref<1x640xf32, #tpu.memory_space<vmem>> -> memref<640xf32, #tpu.memory_space<vmem>>
        %dma_start3A_54 = tpu.memref_slice %arg8[%run_scoped3A_40, %mul3A_14] : memref<16x10240xf32, #tpu.memory_space<vmem_shared>> -> memref<1x640xf32, #tpu.memory_space<vmem_shared>>
        %dma_start3A_55 = tpu.memref_squeeze %dma_start3A_54 : memref<1x640xf32, #tpu.memory_space<vmem_shared>> -> memref<640xf32, #tpu.memory_space<vmem_shared>>
        %dma_start3A_56 = arith.constant 0 : i32
        %dma_start3A_57 = tpu.memref_slice %arg6[%run_scoped3A_41, %dma_start3A_56] : memref<16x640xf32, #tpu.memory_space<vmem>> -> memref<1x640xf32, #tpu.memory_space<vmem>>
        %dma_start3A_58 = tpu.memref_squeeze %dma_start3A_57 : memref<1x640xf32, #tpu.memory_space<vmem>> -> memref<640xf32, #tpu.memory_space<vmem>>
        %dma_start3A_59 = tpu.memref_slice %arg8[%run_scoped3A_40, %mul3A_14] : memref<16x10240xf32, #tpu.memory_space<vmem_shared>> -> memref<1x640xf32, #tpu.memory_space<vmem_shared>>
        %dma_start3A_60 = tpu.memref_squeeze %dma_start3A_59 : memref<1x640xf32, #tpu.memory_space<vmem_shared>> -> memref<640xf32, #tpu.memory_space<vmem_shared>>
        tpu.enqueue_dma source(%dma_start3A_60 : memref<640xf32, #tpu.memory_space<vmem_shared>>) target(%dma_start3A_58 : memref<640xf32, #tpu.memory_space<vmem>>) target_semaphore(%run_scoped3A_51 : memref<!tpu.dma_semaphore, #tpu.memory_space<semaphore_mem>>)
        %dma_wait3A = arith.constant 0 : i32
        %dma_wait3A_61 = tpu.memref_slice %arg6[%run_scoped3A_41, %dma_wait3A] : memref<16x640xf32, #tpu.memory_space<vmem>> -> memref<1x640xf32, #tpu.memory_space<vmem>>
        %dma_wait3A_62 = tpu.memref_squeeze %dma_wait3A_61 : memref<1x640xf32, #tpu.memory_space<vmem>> -> memref<640xf32, #tpu.memory_space<vmem>>
        %dma_wait3A_63 = tpu.memref_slice %arg8[%run_scoped3A_40, %mul3A_14] : memref<16x10240xf32, #tpu.memory_space<vmem_shared>> -> memref<1x640xf32, #tpu.memory_space<vmem_shared>>
        %dma_wait3A_64 = tpu.memref_squeeze %dma_wait3A_63 : memref<1x640xf32, #tpu.memory_space<vmem_shared>> -> memref<640xf32, #tpu.memory_space<vmem_shared>>
        %dma_wait3A_65 = arith.constant 0 : i32
        %dma_wait3A_66 = tpu.memref_slice %arg6[%run_scoped3A_41, %dma_wait3A_65] : memref<16x640xf32, #tpu.memory_space<vmem>> -> memref<1x640xf32, #tpu.memory_space<vmem>>
        %dma_wait3A_67 = tpu.memref_squeeze %dma_wait3A_66 : memref<1x640xf32, #tpu.memory_space<vmem>> -> memref<640xf32, #tpu.memory_space<vmem>>
        %dma_wait3A_68 = tpu.memref_slice %arg8[%run_scoped3A_40, %mul3A_14] : memref<16x10240xf32, #tpu.memory_space<vmem_shared>> -> memref<1x640xf32, #tpu.memory_space<vmem_shared>>
        %dma_wait3A_69 = tpu.memref_squeeze %dma_wait3A_68 : memref<1x640xf32, #tpu.memory_space<vmem_shared>> -> memref<640xf32, #tpu.memory_space<vmem_shared>>
        tpu.wait_dma2 semaphore(%run_scoped3A_51 : memref<!tpu.dma_semaphore, #tpu.memory_space<semaphore_mem>>) src(%dma_wait3A_69 : memref<640xf32, #tpu.memory_space<vmem_shared>>) dst(%dma_wait3A_67 : memref<640xf32, #tpu.memory_space<vmem>>)
        tpu.yield
      }) : () -> ()
      %run_scoped3A_42 = arith.constant 14 : i32
      %run_scoped3A_43 = arith.constant 14 : i32
      "tpu.region"() ({
        %run_scoped3A_51 = tpu.sem_alloc : memref<!tpu.dma_semaphore, #tpu.memory_space<semaphore_mem>>
        %dma_start3A = arith.constant 0 : i32
        %dma_start3A_52 = tpu.memref_slice %arg6[%run_scoped3A_43, %dma_start3A] : memref<16x640xf32, #tpu.memory_space<vmem>> -> memref<1x640xf32, #tpu.memory_space<vmem>>
        %dma_start3A_53 = tpu.memref_squeeze %dma_start3A_52 : memref<1x640xf32, #tpu.memory_space<vmem>> -> memref<640xf32, #tpu.memory_space<vmem>>
        %dma_start3A_54 = tpu.memref_slice %arg8[%run_scoped3A_42, %mul3A_14] : memref<16x10240xf32, #tpu.memory_space<vmem_shared>> -> memref<1x640xf32, #tpu.memory_space<vmem_shared>>
        %dma_start3A_55 = tpu.memref_squeeze %dma_start3A_54 : memref<1x640xf32, #tpu.memory_space<vmem_shared>> -> memref<640xf32, #tpu.memory_space<vmem_shared>>
        %dma_start3A_56 = arith.constant 0 : i32
        %dma_start3A_57 = tpu.memref_slice %arg6[%run_scoped3A_43, %dma_start3A_56] : memref<16x640xf32, #tpu.memory_space<vmem>> -> memref<1x640xf32, #tpu.memory_space<vmem>>
        %dma_start3A_58 = tpu.memref_squeeze %dma_start3A_57 : memref<1x640xf32, #tpu.memory_space<vmem>> -> memref<640xf32, #tpu.memory_space<vmem>>
        %dma_start3A_59 = tpu.memref_slice %arg8[%run_scoped3A_42, %mul3A_14] : memref<16x10240xf32, #tpu.memory_space<vmem_shared>> -> memref<1x640xf32, #tpu.memory_space<vmem_shared>>
        %dma_start3A_60 = tpu.memref_squeeze %dma_start3A_59 : memref<1x640xf32, #tpu.memory_space<vmem_shared>> -> memref<640xf32, #tpu.memory_space<vmem_shared>>
        tpu.enqueue_dma source(%dma_start3A_60 : memref<640xf32, #tpu.memory_space<vmem_shared>>) target(%dma_start3A_58 : memref<640xf32, #tpu.memory_space<vmem>>) target_semaphore(%run_scoped3A_51 : memref<!tpu.dma_semaphore, #tpu.memory_space<semaphore_mem>>)
        %dma_wait3A = arith.constant 0 : i32
        %dma_wait3A_61 = tpu.memref_slice %arg6[%run_scoped3A_43, %dma_wait3A] : memref<16x640xf32, #tpu.memory_space<vmem>> -> memref<1x640xf32, #tpu.memory_space<vmem>>
        %dma_wait3A_62 = tpu.memref_squeeze %dma_wait3A_61 : memref<1x640xf32, #tpu.memory_space<vmem>> -> memref<640xf32, #tpu.memory_space<vmem>>
        %dma_wait3A_63 = tpu.memref_slice %arg8[%run_scoped3A_42, %mul3A_14] : memref<16x10240xf32, #tpu.memory_space<vmem_shared>> -> memref<1x640xf32, #tpu.memory_space<vmem_shared>>
        %dma_wait3A_64 = tpu.memref_squeeze %dma_wait3A_63 : memref<1x640xf32, #tpu.memory_space<vmem_shared>> -> memref<640xf32, #tpu.memory_space<vmem_shared>>
        %dma_wait3A_65 = arith.constant 0 : i32
        %dma_wait3A_66 = tpu.memref_slice %arg6[%run_scoped3A_43, %dma_wait3A_65] : memref<16x640xf32, #tpu.memory_space<vmem>> -> memref<1x640xf32, #tpu.memory_space<vmem>>
        %dma_wait3A_67 = tpu.memref_squeeze %dma_wait3A_66 : memref<1x640xf32, #tpu.memory_space<vmem>> -> memref<640xf32, #tpu.memory_space<vmem>>
        %dma_wait3A_68 = tpu.memref_slice %arg8[%run_scoped3A_42, %mul3A_14] : memref<16x10240xf32, #tpu.memory_space<vmem_shared>> -> memref<1x640xf32, #tpu.memory_space<vmem_shared>>
        %dma_wait3A_69 = tpu.memref_squeeze %dma_wait3A_68 : memref<1x640xf32, #tpu.memory_space<vmem_shared>> -> memref<640xf32, #tpu.memory_space<vmem_shared>>
        tpu.wait_dma2 semaphore(%run_scoped3A_51 : memref<!tpu.dma_semaphore, #tpu.memory_space<semaphore_mem>>) src(%dma_wait3A_69 : memref<640xf32, #tpu.memory_space<vmem_shared>>) dst(%dma_wait3A_67 : memref<640xf32, #tpu.memory_space<vmem>>)
        tpu.yield
      }) : () -> ()
      %run_scoped3A_44 = arith.constant 15 : i32
      %run_scoped3A_45 = arith.constant 15 : i32
      "tpu.region"() ({
        %run_scoped3A_51 = tpu.sem_alloc : memref<!tpu.dma_semaphore, #tpu.memory_space<semaphore_mem>>
        %dma_start3A = arith.constant 0 : i32
        %dma_start3A_52 = tpu.memref_slice %arg6[%run_scoped3A_45, %dma_start3A] : memref<16x640xf32, #tpu.memory_space<vmem>> -> memref<1x640xf32, #tpu.memory_space<vmem>>
        %dma_start3A_53 = tpu.memref_squeeze %dma_start3A_52 : memref<1x640xf32, #tpu.memory_space<vmem>> -> memref<640xf32, #tpu.memory_space<vmem>>
        %dma_start3A_54 = tpu.memref_slice %arg8[%run_scoped3A_44, %mul3A_14] : memref<16x10240xf32, #tpu.memory_space<vmem_shared>> -> memref<1x640xf32, #tpu.memory_space<vmem_shared>>
        %dma_start3A_55 = tpu.memref_squeeze %dma_start3A_54 : memref<1x640xf32, #tpu.memory_space<vmem_shared>> -> memref<640xf32, #tpu.memory_space<vmem_shared>>
        %dma_start3A_56 = arith.constant 0 : i32
        %dma_start3A_57 = tpu.memref_slice %arg6[%run_scoped3A_45, %dma_start3A_56] : memref<16x640xf32, #tpu.memory_space<vmem>> -> memref<1x640xf32, #tpu.memory_space<vmem>>
        %dma_start3A_58 = tpu.memref_squeeze %dma_start3A_57 : memref<1x640xf32, #tpu.memory_space<vmem>> -> memref<640xf32, #tpu.memory_space<vmem>>
        %dma_start3A_59 = tpu.memref_slice %arg8[%run_scoped3A_44, %mul3A_14] : memref<16x10240xf32, #tpu.memory_space<vmem_shared>> -> memref<1x640xf32, #tpu.memory_space<vmem_shared>>
        %dma_start3A_60 = tpu.memref_squeeze %dma_start3A_59 : memref<1x640xf32, #tpu.memory_space<vmem_shared>> -> memref<640xf32, #tpu.memory_space<vmem_shared>>
        tpu.enqueue_dma source(%dma_start3A_60 : memref<640xf32, #tpu.memory_space<vmem_shared>>) target(%dma_start3A_58 : memref<640xf32, #tpu.memory_space<vmem>>) target_semaphore(%run_scoped3A_51 : memref<!tpu.dma_semaphore, #tpu.memory_space<semaphore_mem>>)
        %dma_wait3A = arith.constant 0 : i32
        %dma_wait3A_61 = tpu.memref_slice %arg6[%run_scoped3A_45, %dma_wait3A] : memref<16x640xf32, #tpu.memory_space<vmem>> -> memref<1x640xf32, #tpu.memory_space<vmem>>
        %dma_wait3A_62 = tpu.memref_squeeze %dma_wait3A_61 : memref<1x640xf32, #tpu.memory_space<vmem>> -> memref<640xf32, #tpu.memory_space<vmem>>
        %dma_wait3A_63 = tpu.memref_slice %arg8[%run_scoped3A_44, %mul3A_14] : memref<16x10240xf32, #tpu.memory_space<vmem_shared>> -> memref<1x640xf32, #tpu.memory_space<vmem_shared>>
        %dma_wait3A_64 = tpu.memref_squeeze %dma_wait3A_63 : memref<1x640xf32, #tpu.memory_space<vmem_shared>> -> memref<640xf32, #tpu.memory_space<vmem_shared>>
        %dma_wait3A_65 = arith.constant 0 : i32
        %dma_wait3A_66 = tpu.memref_slice %arg6[%run_scoped3A_45, %dma_wait3A_65] : memref<16x640xf32, #tpu.memory_space<vmem>> -> memref<1x640xf32, #tpu.memory_space<vmem>>
        %dma_wait3A_67 = tpu.memref_squeeze %dma_wait3A_66 : memref<1x640xf32, #tpu.memory_space<vmem>> -> memref<640xf32, #tpu.memory_space<vmem>>
        %dma_wait3A_68 = tpu.memref_slice %arg8[%run_scoped3A_44, %mul3A_14] : memref<16x10240xf32, #tpu.memory_space<vmem_shared>> -> memref<1x640xf32, #tpu.memory_space<vmem_shared>>
        %dma_wait3A_69 = tpu.memref_squeeze %dma_wait3A_68 : memref<1x640xf32, #tpu.memory_space<vmem_shared>> -> memref<640xf32, #tpu.memory_space<vmem_shared>>
        tpu.wait_dma2 semaphore(%run_scoped3A_51 : memref<!tpu.dma_semaphore, #tpu.memory_space<semaphore_mem>>) src(%dma_wait3A_69 : memref<640xf32, #tpu.memory_space<vmem_shared>>) dst(%dma_wait3A_67 : memref<640xf32, #tpu.memory_space<vmem>>)
        tpu.yield
      }) : () -> ()
      %scan3A_46 = arith.constant 0 : i32
      %scan3A_47 = arith.constant 40 : i32
      %scan3A_48 = arith.addi %scan3A_46, %scan3A_47 : i32
      %scan3A_49 = arith.constant 1 : i32
      scf.for %scan3A_51 = %scan3A_46 to %scan3A_48 step %scan3A_49  : i32 {
        %mul3A_52 = arith.constant 16 : i32
        %mul3A_53 = arith.muli %scan3A_51, %mul3A_52 : i32
        %get3A = arith.constant 0 : i32
        %get3A_54 = arith.index_cast %get3A : i32 to index
        %get3A_55 = arith.index_cast %mul3A_53 : i32 to index
        %get3A_56 = tpu.vector_load %arg6[%get3A_54, %get3A_55] {strides = array<i32>} : memref<16x640xf32, #tpu.memory_space<vmem>>, vector<16xf32>,
        %mul3A_57 = arith.constant 16 : i32
        %mul3A_58 = arith.muli %scan3A_51, %mul3A_57 : i32
        %get3A_59 = arith.constant 1 : i32
        %get3A_60 = arith.index_cast %get3A_59 : i32 to index
        %get3A_61 = arith.index_cast %mul3A_58 : i32 to index
        %get3A_62 = tpu.vector_load %arg6[%get3A_60, %get3A_61] {strides = array<i32>} : memref<16x640xf32, #tpu.memory_space<vmem>>, vector<16xf32>,
        %add3A = arith.addf %get3A_56, %get3A_62 : vector<16xf32>
        %mul3A_63 = arith.constant 16 : i32
        %mul3A_64 = arith.muli %scan3A_51, %mul3A_63 : i32
        %get3A_65 = arith.constant 2 : i32
        %get3A_66 = arith.index_cast %get3A_65 : i32 to index
        %get3A_67 = arith.index_cast %mul3A_64 : i32 to index
        %get3A_68 = tpu.vector_load %arg6[%get3A_66, %get3A_67] {strides = array<i32>} : memref<16x640xf32, #tpu.memory_space<vmem>>, vector<16xf32>,
        %add3A_69 = arith.addf %add3A, %get3A_68 : vector<16xf32>
        %mul3A_70 = arith.constant 16 : i32
        %mul3A_71 = arith.muli %scan3A_51, %mul3A_70 : i32
        %get3A_72 = arith.constant 3 : i32
        %get3A_73 = arith.index_cast %get3A_72 : i32 to index
        %get3A_74 = arith.index_cast %mul3A_71 : i32 to index
        %get3A_75 = tpu.vector_load %arg6[%get3A_73, %get3A_74] {strides = array<i32>} : memref<16x640xf32, #tpu.memory_space<vmem>>, vector<16xf32>,
        %add3A_76 = arith.addf %add3A_69, %get3A_75 : vector<16xf32>
        %mul3A_77 = arith.constant 16 : i32
        %mul3A_78 = arith.muli %scan3A_51, %mul3A_77 : i32
        %get3A_79 = arith.constant 4 : i32
        %get3A_80 = arith.index_cast %get3A_79 : i32 to index
        %get3A_81 = arith.index_cast %mul3A_78 : i32 to index
        %get3A_82 = tpu.vector_load %arg6[%get3A_80, %get3A_81] {strides = array<i32>} : memref<16x640xf32, #tpu.memory_space<vmem>>, vector<16xf32>,
        %add3A_83 = arith.addf %add3A_76, %get3A_82 : vector<16xf32>
        %mul3A_84 = arith.constant 16 : i32
        %mul3A_85 = arith.muli %scan3A_51, %mul3A_84 : i32
        %get3A_86 = arith.constant 5 : i32
        %get3A_87 = arith.index_cast %get3A_86 : i32 to index
        %get3A_88 = arith.index_cast %mul3A_85 : i32 to index
        %get3A_89 = tpu.vector_load %arg6[%get3A_87, %get3A_88] {strides = array<i32>} : memref<16x640xf32, #tpu.memory_space<vmem>>, vector<16xf32>,
        %add3A_90 = arith.addf %add3A_83, %get3A_89 : vector<16xf32>
        %mul3A_91 = arith.constant 16 : i32
        %mul3A_92 = arith.muli %scan3A_51, %mul3A_91 : i32
        %get3A_93 = arith.constant 6 : i32
        %get3A_94 = arith.index_cast %get3A_93 : i32 to index
        %get3A_95 = arith.index_cast %mul3A_92 : i32 to index
        %get3A_96 = tpu.vector_load %arg6[%get3A_94, %get3A_95] {strides = array<i32>} : memref<16x640xf32, #tpu.memory_space<vmem>>, vector<16xf32>,
        %add3A_97 = arith.addf %add3A_90, %get3A_96 : vector<16xf32>
        %mul3A_98 = arith.constant 16 : i32
        %mul3A_99 = arith.muli %scan3A_51, %mul3A_98 : i32
        %get3A_100 = arith.constant 7 : i32
        %get3A_101 = arith.index_cast %get3A_100 : i32 to index
        %get3A_102 = arith.index_cast %mul3A_99 : i32 to index
        %get3A_103 = tpu.vector_load %arg6[%get3A_101, %get3A_102] {strides = array<i32>} : memref<16x640xf32, #tpu.memory_space<vmem>>, vector<16xf32>,
        %add3A_104 = arith.addf %add3A_97, %get3A_103 : vector<16xf32>
        %mul3A_105 = arith.constant 16 : i32
        %mul3A_106 = arith.muli %scan3A_51, %mul3A_105 : i32
        %get3A_107 = arith.constant 8 : i32
        %get3A_108 = arith.index_cast %get3A_107 : i32 to index
        %get3A_109 = arith.index_cast %mul3A_106 : i32 to index
        %get3A_110 = tpu.vector_load %arg6[%get3A_108, %get3A_109] {strides = array<i32>} : memref<16x640xf32, #tpu.memory_space<vmem>>, vector<16xf32>,
        %add3A_111 = arith.addf %add3A_104, %get3A_110 : vector<16xf32>
        %mul3A_112 = arith.constant 16 : i32
        %mul3A_113 = arith.muli %scan3A_51, %mul3A_112 : i32
        %get3A_114 = arith.constant 9 : i32
        %get3A_115 = arith.index_cast %get3A_114 : i32 to index
        %get3A_116 = arith.index_cast %mul3A_113 : i32 to index
        %get3A_117 = tpu.vector_load %arg6[%get3A_115, %get3A_116] {strides = array<i32>} : memref<16x640xf32, #tpu.memory_space<vmem>>, vector<16xf32>,
        %add3A_118 = arith.addf %add3A_111, %get3A_117 : vector<16xf32>
        %mul3A_119 = arith.constant 16 : i32
        %mul3A_120 = arith.muli %scan3A_51, %mul3A_119 : i32
        %get3A_121 = arith.constant 10 : i32
        %get3A_122 = arith.index_cast %get3A_121 : i32 to index
        %get3A_123 = arith.index_cast %mul3A_120 : i32 to index
        %get3A_124 = tpu.vector_load %arg6[%get3A_122, %get3A_123] {strides = array<i32>} : memref<16x640xf32, #tpu.memory_space<vmem>>, vector<16xf32>,
        %add3A_125 = arith.addf %add3A_118, %get3A_124 : vector<16xf32>
        %mul3A_126 = arith.constant 16 : i32
        %mul3A_127 = arith.muli %scan3A_51, %mul3A_126 : i32
        %get3A_128 = arith.constant 11 : i32
        %get3A_129 = arith.index_cast %get3A_128 : i32 to index
        %get3A_130 = arith.index_cast %mul3A_127 : i32 to index
        %get3A_131 = tpu.vector_load %arg6[%get3A_129, %get3A_130] {strides = array<i32>} : memref<16x640xf32, #tpu.memory_space<vmem>>, vector<16xf32>,
        %add3A_132 = arith.addf %add3A_125, %get3A_131 : vector<16xf32>
        %mul3A_133 = arith.constant 16 : i32
        %mul3A_134 = arith.muli %scan3A_51, %mul3A_133 : i32
        %get3A_135 = arith.constant 12 : i32
        %get3A_136 = arith.index_cast %get3A_135 : i32 to index
        %get3A_137 = arith.index_cast %mul3A_134 : i32 to index
        %get3A_138 = tpu.vector_load %arg6[%get3A_136, %get3A_137] {strides = array<i32>} : memref<16x640xf32, #tpu.memory_space<vmem>>, vector<16xf32>,
        %add3A_139 = arith.addf %add3A_132, %get3A_138 : vector<16xf32>
        %mul3A_140 = arith.constant 16 : i32
        %mul3A_141 = arith.muli %scan3A_51, %mul3A_140 : i32
        %get3A_142 = arith.constant 13 : i32
        %get3A_143 = arith.index_cast %get3A_142 : i32 to index
        %get3A_144 = arith.index_cast %mul3A_141 : i32 to index
        %get3A_145 = tpu.vector_load %arg6[%get3A_143, %get3A_144] {strides = array<i32>} : memref<16x640xf32, #tpu.memory_space<vmem>>, vector<16xf32>,
        %add3A_146 = arith.addf %add3A_139, %get3A_145 : vector<16xf32>
        %mul3A_147 = arith.constant 16 : i32
        %mul3A_148 = arith.muli %scan3A_51, %mul3A_147 : i32
        %get3A_149 = arith.constant 14 : i32
        %get3A_150 = arith.index_cast %get3A_149 : i32 to index
        %get3A_151 = arith.index_cast %mul3A_148 : i32 to index
        %get3A_152 = tpu.vector_load %arg6[%get3A_150, %get3A_151] {strides = array<i32>} : memref<16x640xf32, #tpu.memory_space<vmem>>, vector<16xf32>,
        %add3A_153 = arith.addf %add3A_146, %get3A_152 : vector<16xf32>
        %mul3A_154 = arith.constant 16 : i32
        %mul3A_155 = arith.muli %scan3A_51, %mul3A_154 : i32
        %get3A_156 = arith.constant 15 : i32
        %get3A_157 = arith.index_cast %get3A_156 : i32 to index
        %get3A_158 = arith.index_cast %mul3A_155 : i32 to index
        %get3A_159 = tpu.vector_load %arg6[%get3A_157, %get3A_158] {strides = array<i32>} : memref<16x640xf32, #tpu.memory_space<vmem>>, vector<16xf32>,
        %add3A_160 = arith.addf %add3A_153, %get3A_159 : vector<16xf32>
        %max3A = arith.constant 1.000000e+00 : f32
        %max3A_161 = vector.broadcast %max3A : f32 to vector<16xf32>
        %max3A_162 = arith.maximumf %add3A_160, %max3A_161 : vector<16xf32>
        %mul3A_163 = arith.constant 16 : i32
        %mul3A_164 = arith.muli %scan3A_51, %mul3A_163 : i32
        %swap3A = arith.index_cast %mul3A_164 : i32 to index
        %swap3A_165 = tpu.vector_load %arg7[%swap3A] {strides = array<i32>} : memref<640xf32, #tpu.memory_space<vmem>>, vector<16xf32>,
        tpu.vector_store %arg7[%swap3A], %max3A_162 {strides = array<i32>} : memref<640xf32, #tpu.memory_space<vmem>>, vector<16xf32>,
      }
      %scan3A_50 = arith.constant 40 : i32
      "tpu.region"() ({
        %run_scoped3A_51 = tpu.sem_alloc : memref<!tpu.dma_semaphore, #tpu.memory_space<semaphore_mem>>
        %dma_start3A = tpu.memref_slice %arg3[%mul3A_14] : memref<10240xf32, #tpu.memory_space<hbm>> -> memref<640xf32, #tpu.memory_space<hbm>>
        %dma_start3A_52 = tpu.memref_slice %arg3[%mul3A_14] : memref<10240xf32, #tpu.memory_space<hbm>> -> memref<640xf32, #tpu.memory_space<hbm>>
        tpu.enqueue_dma source(%arg7 : memref<640xf32, #tpu.memory_space<vmem>>) target(%dma_start3A_52 : memref<640xf32, #tpu.memory_space<hbm>>) target_semaphore(%run_scoped3A_51 : memref<!tpu.dma_semaphore, #tpu.memory_space<semaphore_mem>>)
        %dma_wait3A = tpu.memref_slice %arg3[%mul3A_14] : memref<10240xf32, #tpu.memory_space<hbm>> -> memref<640xf32, #tpu.memory_space<hbm>>
        %dma_wait3A_53 = tpu.memref_slice %arg3[%mul3A_14] : memref<10240xf32, #tpu.memory_space<hbm>> -> memref<640xf32, #tpu.memory_space<hbm>>
        tpu.wait_dma2 semaphore(%run_scoped3A_51 : memref<!tpu.dma_semaphore, #tpu.memory_space<semaphore_mem>>) src(%arg7 : memref<640xf32, #tpu.memory_space<vmem>>) dst(%dma_wait3A_53 : memref<640xf32, #tpu.memory_space<hbm>>)
        tpu.yield
      }) : () -> ()
    } else {
    }
    return
  }
}

</mosaic_0001>

<sc_bundles>
// kernel: _sc_deg.3.cloned.1.call-start
scs
__scs_entry_jumppad:
0x0: {  	(pc) =	sbr.rel $0x88, $3  }
0x1: {  	(tag) =	ssettag $0x0;
	lr =	simm.s32 $0x1  }
0x2: {  	[smem:$0x3FA0] =	sst lr;
	_ =	strace $0xD0000000  }
0x3: {  	_ = 	snop  }
0x4: {  	_ = 	snop  }
0x5: {  	_ = 	snop  }
0x6: {  	_ = 	snop  }
0x7: {  	_ = 	snop  }
__scs_overlays_trampoline_lowered:
0x8: {  	[smem:$0x3FAF] =	sst s0  }
0x9: {  	[smem:$0x3FB0] =	sst s1  }
0xa: {  	[smem:$0x3FB1] =	sst s2  }
0xb: {  	[smem:$0x3FB2] =	sst s3  }
0xc: {  	[smem:$0x3FB3] =	sst s4  }
0xd: {  	[smem:$0x3FB4] =	sst s5  }
0xe: {  	[smem:$0x3FB5] =	sst s6  }
0xf: {  	[smem:$0x3FB6] =	sst s7  }
0x10: {  	[smem:$0x3FB7] =	sst s8  }
0x11: {  	[smem:$0x3FB8] =	sst s9;
	s0 =	simm.s32 @!p0 $0x0  }
0x12: {  	s1 =	sld [smem:$0x3F9E];
	s0 =	simm.s32 @p0 $0x1  }
0x13: {  	[smem:$0x3FB9] =	sst s0;
	s0 =	simm.s32 @!p1 $0x0  }
0x14: {  	s2 =	sld [smem:$0x3F9D];
	s0 =	simm.s32 @p1 $0x1  }
0x15: {  	[smem:$0x3FBA] =	sst s0;
	s0 =	simm.s32 @!p2 $0x0  }
0x16: {  	s3 =	sld [smem:$0x3FDB];
	s0 =	simm.s32 @p2 $0x1  }
0x17: {  	s4 =	simm.s32 $0x1BF5;
	[smem:$0x3FBC] =	sst s0  }
0x18: {  	s0 =	sld [smem:$0x3F9F];
	_ =	swait.ge [sflag:s4], $0x0  }
0x19: {  	s7 =	sld [smem:$0x3FA0]  }
0x1a: {  	s8 =	sadd.s32 $0xFFFFE003, lr  }
0x1b: {  	s9 =	sadd.s32 $0xFFFFFEF7, lr;
	s5 =	simm.s32 $0xFFFFFFFF;
	p2 =	slt.u32 s8, $0xFFFFF086  }
0x1c: {  	p1 =	slt.u32 s9, $0xF7A;
	s5 =	simm.s32 @!p2 $0x0  }
0x1d: {  	s5 =	simm.s32 @p1 $0x1;
	p0 =	seq.s32 s7, s2  }
0x1e: {  	s7 =	smul.u32 @!p0 $0xF7A, s2;
	p2 =	seq.s32 @!p0 s5, $0x0  }
0x1f: {  	s9 =	smul.u32 $0xF7A, s1;
	s8 =	simm.s32 @!p0 $0x1BF5;
	p2 =	por !p2, p0  }
0x20: {  	[sflag:s8] =	ssyncset.s32 @!p0 $0xFFFFF086;
	s6 =	sadd.s32 @!p0 s3, s7;
	s7 =	simm.s32 @!p0 $0x108  }
0x21: {  	s3 =	sadd.s32 s3, s9;
	s6 =	sadd.s32 @!p0 $0x88, s6;
	s7 =	simm.s32 @p2 $0x1082  }
0x22: {  	[simem:s7], [sflag:s8] =	dma.local @!p0 [hbm:s6], $0xF7A  }
0x23: {  	s9 =	sor.u32 $0xD0000000, s2;
	s6 =	simm.s32 $0x108;
	_ =	swait.ge @!p0 [sflag:s8], $0x0  }
0x24: {  	s3 =	sadd.s32 $0x88, s3;
	s6 =	simm.s32 @!p1 $0x1082;
	[sflag:s4] =	ssyncset.s32 $0xFFFFF086  }
0x25: {  	[simem:s6], [sflag:s4] =	dma.local [hbm:s3], $0xF7A  }
0x26: {  	[smem:$0x3FA0] =	sst s1;
	(tag) =	ssettag s2;
	_ =	strace s9  }
0x27: {  	s1 =	sld [smem:$0x3FB0]  }
0x28: {  	s2 =	sld [smem:$0x3FB1]  }
0x29: {  	s4 =	sld [smem:$0x3FB3]  }
0x2a: {  	p0 =	seq.s32 s5, $0x0;
	s5 =	sld [smem:$0x3FB4]  }
0x2b: {  	s6 =	sld [smem:$0x3FB5]  }
0x2c: {  	s7 =	sld [smem:$0x3FB6]  }
0x2d: {  	s3 =	simm.s32 $0x108;
	s8 =	sld [smem:$0x3FB7]  }
0x2e: {  	s3 =	simm.s32 @!p0 $0x1082;
	s9 =	sld [smem:$0x3FB8]  }
0x2f: {  	lr =	sadd.s32 s0, s3;
	s0 =	sld [smem:$0x3FAF]  }
0x30: {  	s3 =	sld [smem:$0x3FB2]  }
0x31: {  	[smem:$0x3FBB] =	sst s10  }
0x32: {  	s10 =	sld [smem:$0x3FB9];
	_ =	sdelay $0x3  }
0x33: {  	p0 =	seq.s32 s10, $0x1;
	s10 =	sld [smem:$0x3FBB];
	_ =	sdelay $0x3  }
0x34: {  	[smem:$0x3FBB] =	sst s10  }
0x35: {  	s10 =	sld [smem:$0x3FBA];
	_ =	sdelay $0x3  }
0x36: {  	p1 =	seq.s32 s10, $0x1;
	s10 =	sld [smem:$0x3FBB];
	_ =	sdelay $0x3  }
0x37: {  	[smem:$0x3FBB] =	sst s10  }
0x38: {  	s10 =	sld [smem:$0x3FBC]  }
0x39: {  	_ = 	snop;
	(pc) =	sbr.ind lr, $3  }
0x3a: {  	_ = 	snop  }
0x3b: {  	_ = 	snop  }
0x3c: {  	p2 =	seq.s32 s10, $0x1;
	s10 =	sld [smem:$0x3FBB]  }
0x3d: {  	_ =	shalt  }
0x3e: {  	_ =	shalt  }
0x3f: {  	_ =	shalt  }
0x40: {  	_ =	shalt  }
0x41: {  	_ =	shalt  }
0x42: {  	_ =	shalt  }
0x43: {  	_ =	shalt  }
0x44: {  	_ =	shalt  }
0x45: {  	_ =	shalt  }
0x46: {  	_ =	shalt  }
0x47: {  	_ =	shalt  }
0x48: {  	_ =	shalt  }
0x49: {  	_ =	shalt  }
0x4a: {  	_ =	shalt  }
0x4b: {  	_ =	shalt  }
0x4c: {  	_ =	shalt  }
0x4d: {  	_ =	shalt  }
0x4e: {  	_ =	shalt  }
0x4f: {  	_ =	shalt  }
0x50: {  	_ =	shalt  }
0x51: {  	_ =	shalt  }
0x52: {  	_ =	shalt  }
0x53: {  	_ =	shalt  }
0x54: {  	_ =	shalt  }
0x55: {  	_ =	shalt  }
0x56: {  	_ =	shalt  }
0x57: {  	_ =	shalt  }
0x58: {  	_ =	shalt  }
0x59: {  	_ =	shalt  }
0x5a: {  	_ =	shalt  }
0x5b: {  	_ =	shalt  }
0x5c: {  	_ =	shalt  }
0x5d: {  	_ =	shalt  }
0x5e: {  	_ =	shalt  }
0x5f: {  	_ =	shalt  }
0x60: {  	_ =	shalt  }
0x61: {  	_ =	shalt  }
0x62: {  	_ =	shalt  }
0x63: {  	_ =	shalt  }
0x64: {  	_ =	shalt  }
0x65: {  	_ =	shalt  }
0x66: {  	_ =	shalt  }
0x67: {  	_ =	shalt  }
0x68: {  	_ =	shalt  }
0x69: {  	_ =	shalt  }
0x6a: {  	_ =	shalt  }
0x6b: {  	_ =	shalt  }
0x6c: {  	_ =	shalt  }
0x6d: {  	_ =	shalt  }
0x6e: {  	_ =	shalt  }
0x6f: {  	_ =	shalt  }
0x70: {  	_ =	shalt  }
0x71: {  	_ =	shalt  }
0x72: {  	_ =	shalt  }
0x73: {  	_ =	shalt  }
0x74: {  	_ =	shalt  }
0x75: {  	_ =	shalt  }
0x76: {  	_ =	shalt  }
0x77: {  	_ =	shalt  }
0x78: {  	_ =	shalt  }
0x79: {  	_ =	shalt  }
0x7a: {  	_ =	shalt  }
0x7b: {  	_ =	shalt  }
0x7c: {  	_ =	shalt  }
0x7d: {  	_ =	shalt  }
0x7e: {  	_ =	shalt  }
0x7f: {  	_ =	shalt  }
0x80: {  	_ =	shalt  }
0x81: {  	_ =	shalt  }
0x82: {  	_ =	shalt  }
0x83: {  	_ =	shalt  }
0x84: {  	_ =	shalt  }
0x85: {  	_ =	shalt  }
0x86: {  	_ =	shalt  }
0x87: {  	_ =	shalt  }
.Lfunc_end0:
.L_simem_size_0:
called_computation_lowered:
.L_overlay_start_0:
0x88: {  	s2 =	sld [smem:$0x3FD9]  }
0x89: {  	s3 =	sld [smem:$0x3FFE];
	_ =	sdelay $0x1  }
0x8a: {  	s1 =	srdreg.scid  }
0x8b: {  	s0 =	sand.u32 $0x1, s1  }
0x8c: {  	s18 =	sshll.u32 s0, $0xA;
	s2 =	sadd.s32 s3, s2  }
0x8d: {  	s2 =	sadd.s32 s2, s18  }
0x8e: {  	[smem:$0x3FC7] =	sst s2  }
0x8f: {  	_ = 	snop  }
0x90: {  	s2 =	sld [smem:$0x3FC9]  }
0x91: {  	s19 =	sld [smem:$0x3FD0];
	(tm) =	ssettm $0x1  }
0x92: {  	s4 =	sld [smem:$0x3FFB];
	_ =	sdelay $0x3  }
0x93: {  	_ =	strace s4  }
0x94: {  	s4 =	sld [smem:$0x3FFC];
	_ =	sdelay $0x3  }
0x95: {  	_ =	strace s4  }
0x96: {  	s4 =	sld [smem:$0x3FFD];
	_ =	sdelay $0x3  }
0x97: {  	_ =	strace s4  }
0x98: {  	_ =	strace $0x8FFFFFFF  }
0x99: {  	s20 =	sld [smem:$0x3FDB];
	_ =	sdelay $0x1  }
0x9a: {  	s5 =	simm.s32 $_scs_section_size  }
0x9b: {  	s6 =	simm.s32 $_size__tile_overlayer_lowered;
	s7 =	simm.s32 $_tile_overlayer_lowered  }
0x9c: {  	s23 =	simm.s32 $0x1BFF;
	s22 =	sshll.u32 s7, $0x1;
	s4 =	sadd.s32 s5, s20  }
0x9d: {  	s8 =	simm.s32 $0x0;
	s21 =	sshll.u32 s6, $0x1;
	s6 =	sadd.s32 s22, s4  }
0x9e: {  	[timem:s8], [sflag:s23] =	dma.local [hbm:s6], s21  }
0x9f: {  	_ =	swait.ge [sflag:s23], s21  }
0xa0: {  	s5 =	ssub.s32 $0x0, s21;
	[sflag:s23] =	ssyncset.done $0x0  }
0xa1: {  	[sflag:s23] =	ssyncadd.s32 s5;
	_ =	sdelay $0x1  }
0xa2: {  	s24 =	simm.s32 $0x1B8B  }
0xa3: {  	_ =	swait.ge [sflag:s24], $0x1  }
0xa4: {  	[sflag:s24] =	ssyncset.done $0x0  }
0xa5: {  	s25 =	simm.s32 $0x1B8E;
	[sflag:s24] =	ssyncadd.s32 $0xFFFFFFFF  }
0xa6: {  	s26 =	simm.s32 $execute0_lowered;
	[smem:$0x3FD2] =	sst s25  }
0xa7: {  	s5 =	sshll.u32 s26, $0x1;
	_ =	strace $0x80000046;
	[dreg:$0x1] =	wrdreg $0xFFFFFFFF  }
0xa8: {  	s28 =	simm.s32 $_size_execute0_lowered;
	s4 =	sadd.s32 s4, s5;
	[dreg:$0x0] =	wrdreg $0x0  }
0xa9: {  	s5 =	sshll.u32 s28, $0x1;
	[dreg:$0x2] =	wrdreg s4  }
0xaa: {  	[dreg:$0x3] =	wrdreg s5  }
0xab: {  	[dreg:$0x4] =	wrdreg $0xC0  }
0xac: {  	_ =	task [dreg:s8], $0x5FFFF  }
0xad: {  	[dreg:$0x1] =	wrdreg $0xFFFFFFFF  }
0xae: {  	[dreg:$0x0] =	wrdreg $0x60  }
0xaf: {  	[dreg:$0x2] =	wrdreg s2  }
0xb0: {  	[dreg:$0x3] =	wrdreg s19  }
0xb1: {  	[dreg:$0x4] =	wrdreg $0x5A800  }
0xb2: {  	[dreg:$0x5] =	wrdreg $0x9  }
0xb3: {  	_ =	task.clear_ibuf [dreg:s8], $0x6FFFF;
	_ =	strace $0x90000046  }
0xb4: {  	s29 =	simm.s32 $0x9;
	_ =	strace $0x80000048  }
0xb5: {  	_ =	swait.ge [sflag:s29], $0x1  }
0xb6: {  	[sflag:s29] =	ssyncadd.s32 $0xFFFFFFFF  }
0xb7: {  	_ =	strace $0x90000048  }
0xb8: {  	_ =	sfence  }
0xb9: {  	s30 =	sld [smem:$0x0];
	_ =	sdelay $0x2  }
0xba: {  	s31 =	sshll.u32 s1, $0xD;
	s1 =	sshrl.u32 s1, $0x2  }
0xbb: {  	s3 =	sand.u32 $0x4000, s31;
	s1 =	sadd.s32 s1, s30  }
0xbc: {  	s0 =	sor.u32 s3, s0;
	s1 =	sshll.u32 s1, $0x11  }
0xbd: {  	s0 =	sor.u32 s1, s0  }
0xbe: {  	s0 =	sadd.s32 $0x8F2B, s0  }
0xbf: {  	[sflag:s0] =	ssyncadd.remote.s32 $0x1  }
0xc0: {  	_ =	sfence.sel $0xFFFF  }
0xc1: {  	[dreg:$0x0] =	wrdreg $0xFFFFFFFF;
	(pc) =	sbr.abs _section_cstart, $3  }
0xc2: {  	[dreg:$0x1] =	wrdreg $0xFFFFFFFF  }
0xc3: {  	_ =	task.clear_ibuf [dreg:s8], $0x2FFFF;
	_ =	strace $0x9FFFFFFF  }
0xc4: {  	(tm) =	ssettm $0x7FFFFFFF  }
0xc5: {  	_ =	shalt  }
tec
execute0_lowered:
.L_overlay_start_1:
0x0: {  	(tag) =	ssettag $0x1  }
0x1: {  	s1 =	srdreg.scid  }
0x2: {  	s1 =	sand.u32 $0x1, s1  }
0x3: {  	p0 =	seq.s32 s1, $0x1  }
.Ltmp0:
0x4: {  	s2 =	rddreg [dreg:$0x0];
	(pc) =	sbr.rel @p0 .LBB2_16-.Ltmp0, $4  }
0x5: {  	s0 =	rddreg [dreg:$0x1]  }
0x6: {  	s3 =	rddreg [dreg:$0x2];
	s4 =	simm.s32 $0x0  }
0x7: {  	[smem:$0x7FF] =	sst s4  }
0x8: {  	s5 =	rddreg [dreg:$0x3];
	_ =	strace $0x80000047;
	s1 =	stileid.u32  }
0x9: {  	s5 =	smul.u32 $0x5000, s1  }
0xa: {  	s4 =	sshrl.u32 s1, $0x3;
	s24 =	smul.u32 $0x50, s1  }
0xb: {  	s4 =	smul.u32 $0x50000, s4  }
0xc: {  	s5 =	sshrl.u32 s5, $0x2  }
0xd: {  	s0 =	sadd.s32 s0, s24;
	s4 =	sshrl.u32 s4, $0x2;
	s10 =	sadd.s32 s5, s3  }
0xe: {  	[dreg:$0x4] =	wrdreg s0;
	s4 =	sadd.s32 s4, s3;
	s3 =	sadd.s32 $0x100, s10  }
0xf: {  	s12 =	sadd.s32 $0x180, s10;
	[smem:$0x7DD] =	sst s3  }
0x10: {  	s13 =	sadd.s32 $0x200, s10;
	[smem:$0x7DE] =	sst s12  }
0x11: {  	s14 =	sadd.s32 $0x280, s10;
	[smem:$0x7DF] =	sst s13  }
0x12: {  	s16 =	sadd.s32 $0x300, s10;
	[smem:$0x7E0] =	sst s14  }
0x13: {  	s17 =	sadd.s32 $0x380, s10;
	[smem:$0x7E1] =	sst s16  }
0x14: {  	s18 =	sadd.s32 $0x14000, s10;
	[dreg:$0x1d] =	wrdreg s17  }
0x15: {  	s20 =	sadd.s32 $0x14080, s10;
	[dreg:$0x15] =	wrdreg s18  }
0x16: {  	s21 =	sadd.s32 $0x14100, s10;
	[dreg:$0xf] =	wrdreg s20  }
0x17: {  	s22 =	sadd.s32 $0x14180, s10;
	[dreg:$0xa] =	wrdreg s21  }
0x18: {  	s23 =	sadd.s32 $0x14200, s10;
	[dreg:$0x9] =	wrdreg s22  }
0x19: {  	s25 =	sadd.s32 $0x14280, s10;
	[dreg:$0x8] =	wrdreg s23  }
0x1a: {  	s19 =	smul.u32 $0x2800, s1;
	s26 =	sadd.s32 $0x14300, s10;
	[dreg:$0x7] =	wrdreg s25  }
0x1b: {  	s31 =	sadd.s32 $0x14380, s10;
	[dreg:$0x6] =	wrdreg s26  }
0x1c: {  	s3 =	sshrl.u32 s19, $0x3;
	[dreg:$0x5] =	wrdreg s31;
	s31 =	sadd.s32 $0x1200, s10  }
0x1d: {  	s29 =	sadd.s32 s2, s3;
	s2 =	sadd.s32 $0xE00, s10;
	[smem:$0x7E3] =	sst s31  }
0x1e: {  	s31 =	sadd.s32 $0xA80, s10;
	[smem:$0x7E2] =	sst s2  }
0x1f: {  	s2 =	sadd.s32 $0x680, s10;
	[smem:$0x7E5] =	sst s31  }
0x20: {  	s31 =	sadd.s32 $0x1280, s10;
	[smem:$0x7E4] =	sst s2  }
0x21: {  	s2 =	sadd.s32 $0xE80, s10;
	[smem:$0x7E7] =	sst s31  }
0x22: {  	s31 =	sadd.s32 $0xB00, s10;
	[smem:$0x7E6] =	sst s2  }
0x23: {  	s2 =	sadd.s32 $0x700, s10;
	[smem:$0x7E9] =	sst s31  }
0x24: {  	s31 =	sadd.s32 $0x1300, s10;
	[smem:$0x7E8] =	sst s2  }
0x25: {  	s2 =	sadd.s32 $0xF00, s10;
	[smem:$0x7EB] =	sst s31  }
0x26: {  	s31 =	sadd.s32 $0xB80, s10;
	[smem:$0x7EA] =	sst s2  }
0x27: {  	s2 =	sadd.s32 $0x780, s10;
	[smem:$0x7ED] =	sst s31  }
0x28: {  	s31 =	sadd.s32 $0x1380, s10;
	[smem:$0x7EC] =	sst s2  }
0x29: {  	s2 =	sadd.s32 $0xF80, s10;
	[smem:$0x7EF] =	sst s31  }
0x2a: {  	s31 =	sadd.s32 $0x14800, s10;
	[smem:$0x7EE] =	sst s2  }
0x2b: {  	s2 =	sadd.s32 $0x14400, s10;
	[smem:$0x7F1] =	sst s31  }
0x2c: {  	s31 =	sadd.s32 $0x15000, s10;
	[smem:$0x7F0] =	sst s2  }
0x2d: {  	s2 =	sadd.s32 $0x14C00, s10;
	[smem:$0x7F3] =	sst s31  }
0x2e: {  	s31 =	sadd.s32 $0x14880, s10;
	[smem:$0x7F2] =	sst s2  }
0x2f: {  	s2 =	sadd.s32 $0x14480, s10;
	[smem:$0x7F5] =	sst s31  }
0x30: {  	s6 =	sshll.u32 s1, $0x7;
	s31 =	sadd.s32 $0x15080, s10;
	[smem:$0x7F4] =	sst s2  }
0x31: {  	s30 =	simm.s32 $0x40;
	s2 =	sadd.s32 $0x14C80, s10;
	[smem:$0x7F7] =	sst s31  }
0x32: {  	s6 =	sand.u32 $0x380, s6;
	s31 =	sadd.s32 $0x14900, s10;
	[smem:$0x7F6] =	sst s2  }
0x33: {  	s0 =	simm.s32 $0x0;
	s2 =	sadd.s32 $0x14500, s10;
	[smem:$0x7F9] =	sst s31  }
0x34: {  	s5 =	sadd.s32 $0x80, s10;
	s31 =	sadd.s32 $0x15100, s10;
	[smem:$0x7F8] =	sst s2  }
0x35: {  	s11 =	sadd.s32 $0x1100, s10;
	s2 =	sadd.s32 $0x14D00, s10;
	[smem:$0x7FB] =	sst s31  }
0x36: {  	s9 =	sadd.s32 $0x580, s10;
	s31 =	sadd.s32 $0x14980, s10;
	[smem:$0x7FA] =	sst s2  }
0x37: {  	s8 =	sadd.s32 $0x980, s10;
	s2 =	sadd.s32 $0x14580, s10;
	[smem:$0x7FD] =	sst s31  }
0x38: {  	s7 =	sadd.s32 $0xD80, s10;
	s31 =	sadd.s32 $0x15180, s10;
	[smem:$0x7FC] =	sst s2  }
0x39: {  	s15 =	sadd.s32 s6, s4;
	s2 =	sadd.s32 $0x14D80, s10;
	[dreg:$0x1e] =	wrdreg s31  }
0x3a: {  	s23 =	sadd.s32 $0x400, s10;
	s31 =	sadd.s32 $0x14A00, s10;
	[dreg:$0x1f] =	wrdreg s2  }
0x3b: {  	s22 =	sadd.s32 $0x800, s10;
	s2 =	sadd.s32 $0x14600, s10;
	[dreg:$0x1b] =	wrdreg s31  }
0x3c: {  	s21 =	sadd.s32 $0xC00, s10;
	s31 =	sadd.s32 $0x15200, s10;
	[dreg:$0x1c] =	wrdreg s2  }
0x3d: {  	s20 =	sadd.s32 $0x1000, s10;
	s2 =	sadd.s32 $0x14E00, s10;
	[dreg:$0x19] =	wrdreg s31  }
0x3e: {  	s19 =	sadd.s32 $0x480, s10;
	s31 =	sadd.s32 $0x14A80, s10;
	[dreg:$0x1a] =	wrdreg s2  }
0x3f: {  	s18 =	sadd.s32 $0x880, s10;
	s2 =	sadd.s32 $0x14680, s10;
	[dreg:$0x17] =	wrdreg s31  }
0x40: {  	s17 =	sadd.s32 $0xC80, s10;
	s31 =	sadd.s32 $0x15280, s10;
	[dreg:$0x18] =	wrdreg s2  }
0x41: {  	s16 =	sadd.s32 $0x1080, s10;
	s2 =	sadd.s32 $0x14E80, s10;
	[dreg:$0x14] =	wrdreg s31  }
0x42: {  	s14 =	sadd.s32 $0x500, s10;
	s31 =	sadd.s32 $0x14B00, s10;
	[dreg:$0x16] =	wrdreg s2  }
0x43: {  	s13 =	sadd.s32 $0x900, s10;
	s2 =	sadd.s32 $0x14700, s10;
	[dreg:$0x12] =	wrdreg s31  }
0x44: {  	s12 =	sadd.s32 $0xD00, s10;
	s31 =	sadd.s32 $0x15300, s10;
	[dreg:$0x13] =	wrdreg s2  }
0x45: {  	s6 =	sadd.s32 $0x1180, s10;
	s2 =	sadd.s32 $0x14F00, s10;
	[dreg:$0x10] =	wrdreg s31  }
0x46: {  	s4 =	sadd.s32 $0x600, s10;
	s31 =	sadd.s32 $0x14B80, s10;
	[dreg:$0x11] =	wrdreg s2  }
0x47: {  	s3 =	sadd.s32 $0xA00, s10;
	s2 =	sadd.s32 $0x14780, s10;
	[dreg:$0xd] =	wrdreg s31  }
0x48: {  	s28 =	sadd.s32 $0x100, s29;
	s31 =	sadd.s32 $0x15380, s10;
	[dreg:$0xe] =	wrdreg s2  }
0x49: {  	s26 =	sadd.s32 $0x200, s29;
	s2 =	sadd.s32 $0x14F80, s10;
	[dreg:$0xc] =	wrdreg s31  }
0x4a: {  	v0 =	vimm.f32 $0.0e+00;
	s25 =	sadd.s32 $0x300, s29;
	s24 =	sadd.s32 $0x400, s29;
	[dreg:$0xb] =	wrdreg s2  }
.LBB2_2:
0x4b: {  	p0 =	sne.s32 s30, $0x9FC0;
	[tilespmem:s0+$0x0] =	vst v0;
	s0 =	smov.u32 s30;
	s30 =	sadd.s32 $0x40, s30  }
.Ltmp1:
0x4c: {  	(pc) =	sbr.rel @p0 .LBB2_2-.Ltmp1, $2  }
0x4d: {  	_ =	sdelay $0x2  }
0x4e: {  	s0 =	sshra.s32 s0, $0x2  }
0x4f: {  	[tilespmem:s0+$0x0] =	vst v0;
	s30 =	simm.s32 $0x0;
	s2 =	simm.s32 $0x2800  }
0x50: {  	[tilespmem:s2], [sflag:$0x1] =	stream.linear.gather [hbm4b:s29+s30], $0x800, $0x38;
	[tilespmem:$0x8280] =	vst v63  }
0x51: {  	s2 =	simm.s32 $0x1  }
0x52: {  	s29 =	sand.u32 $0x1E00, s30;
	_ =	swait.ge [sflag:s2], $0x800  }
0x53: {  	s31 =	sand.u32 $0x70, s30;
	s29 =	sshrl.u32 s29, $0x2;
	[sflag:s2] =	ssyncset.done $0x0  }
0x54: {  	s29 =	sor.u32 s31, s29;
	[sflag:s2] =	ssyncadd.s32 $0xFFFFF800  }
0x55: {  	v1 =	vld [tilespmem:s29+$0x2800];
	_ =	sdelay $0x4  }
0x56: {  	s2 =	simm.s32 $0x40  }
0x57: {  	v0 =	vimm.f32 $1.000000000e+00;
	s31 =	simm.s32 $0x80;
	s0 =	sand.u32 $0x1E00, s2;
	s29 =	simm.s32 $0x10  }
.LBB2_4:
0x58: {  	p0 =	sne.s32 s31, $0x1FC0;
	s2 =	sand.u32 $0x70, s29;
	s0 =	sshrl.u32 s0, $0x2  }
0x59: {  	s0 =	sor.u32 s2, s0;
	[tilespmem:v1+s30+$0x0] =	vst.idx.add.f32.msk $0xffff, v0  }
0x5a: {  	v1 =	vld [tilespmem:s0+$0x2800];
	_ =	sdelay $0x1  }
.Ltmp2:
0x5b: {  	(pc) =	sbr.rel @p0 .LBB2_4-.Ltmp2, $2  }
0x5c: {  	_ =	sdelay $0x2  }
0x5d: {  	s29 =	sadd.s32 $0x10, s29;
	s0 =	sand.u32 $0x1E00, s31;
	s31 =	sadd.s32 $0x40, s31  }
0x5e: {  	_ =	sdelay $0x2  }
0x5f: {  	s2 =	sand.u32 $0x70, s29;
	s0 =	sshrl.u32 s0, $0x2  }
0x60: {  	[tilespmem:v1+s30+$0x0] =	vst.idx.add.f32.msk $0xffff, v0;
	s0 =	sor.u32 s2, s0  }
0x61: {  	v1 =	vld [tilespmem:s0+$0x2800];
	_ =	sdelay $0x7  }
0x62: {  	s29 =	simm.s32 $0x0;
	s2 =	simm.s32 $0x2800;
	s0 =	simm.s32 $0x1;
	[tilespmem:v1+s30+$0x0] =	vst.idx.add.f32.msk $0xffff, v0  }
0x63: {  	[tilespmem:s2], [sflag:$0x1] =	stream.linear.gather [hbm4b:s28+s29], $0x800, $0x38;
	[tilespmem:$0x8280] =	vst v63  }
0x64: {  	s2 =	sand.u32 $0x1E00, s29;
	_ =	swait.ge [sflag:s0], $0x800  }
0x65: {  	s28 =	sand.u32 $0x70, s29;
	s2 =	sshrl.u32 s2, $0x2;
	[sflag:s0] =	ssyncset.done $0x0  }
0x66: {  	s2 =	sor.u32 s28, s2;
	[sflag:s0] =	ssyncadd.s32 $0xFFFFF800  }
0x67: {  	v1 =	vld [tilespmem:s2+$0x2800];
	_ =	sdelay $0x4  }
0x68: {  	s28 =	simm.s32 $0x40  }
0x69: {  	s31 =	simm.s32 $0x10;
	v0 =	vimm.f32 $1.000000000e+00;
	s30 =	simm.s32 $0x20;
	s0 =	sand.u32 $0x1E00, s28  }
.LBB2_6:
0x6a: {  	p0 =	sne.s32 s30, $0x7F0;
	s2 =	sand.u32 $0x70, s31;
	s0 =	sshrl.u32 s0, $0x2  }
0x6b: {  	s31 =	smov.u32 s30;
	s0 =	sor.u32 s2, s0;
	[tilespmem:v1+s29+$0x0] =	vst.idx.add.f32.msk $0xffff, v0  }
0x6c: {  	v1 =	vld [tilespmem:s0+$0x2800];
	_ =	sdelay $0x1  }
.Ltmp3:
0x6d: {  	(pc) =	sbr.rel @p0 .LBB2_6-.Ltmp3, $3  }
0x6e: {  	_ =	sdelay $0x1  }
0x6f: {  	s28 =	sadd.s32 $0x40, s28  }
0x70: {  	s30 =	sadd.s32 $0x10, s30;
	s0 =	sand.u32 $0x1E00, s28  }
0x71: {  	_ =	sdelay $0x2  }
0x72: {  	s2 =	sand.u32 $0x70, s31;
	s0 =	sshrl.u32 s0, $0x2  }
0x73: {  	[tilespmem:v1+s29+$0x0] =	vst.idx.add.f32.msk $0xffff, v0;
	s0 =	sor.u32 s2, s0  }
0x74: {  	v1 =	vld [tilespmem:s0+$0x2800];
	_ =	sdelay $0x7  }
0x75: {  	s28 =	simm.s32 $0x0;
	s2 =	simm.s32 $0x2800;
	s0 =	simm.s32 $0x1;
	[tilespmem:v1+s29+$0x0] =	vst.idx.add.f32.msk $0xffff, v0  }
0x76: {  	[tilespmem:s2], [sflag:$0x1] =	stream.linear.gather [hbm4b:s26+s28], $0x800, $0x38;
	[tilespmem:$0x8280] =	vst v63  }
0x77: {  	s26 =	sand.u32 $0x1E00, s28;
	_ =	swait.ge [sflag:s0], $0x800  }
0x78: {  	s31 =	sand.u32 $0x70, s28;
	s2 =	sshrl.u32 s26, $0x2;
	[sflag:s0] =	ssyncset.done $0x0  }
0x79: {  	s31 =	sor.u32 s31, s2;
	[sflag:s0] =	ssyncadd.s32 $0xFFFFF800  }
0x7a: {  	v1 =	vld [tilespmem:s31+$0x2800];
	_ =	sdelay $0x4  }
0x7b: {  	s26 =	simm.s32 $0x40  }
0x7c: {  	s30 =	simm.s32 $0x10;
	v0 =	vimm.f32 $1.000000000e+00;
	s29 =	simm.s32 $0x20;
	s0 =	sand.u32 $0x1E00, s26  }
.LBB2_8:
0x7d: {  	p0 =	sne.s32 s29, $0x7F0;
	s2 =	sand.u32 $0x70, s30;
	s0 =	sshrl.u32 s0, $0x2  }
0x7e: {  	s30 =	smov.u32 s29;
	s0 =	sor.u32 s2, s0;
	[tilespmem:v1+s28+$0x0] =	vst.idx.add.f32.msk $0xffff, v0  }
0x7f: {  	v1 =	vld [tilespmem:s0+$0x2800];
	_ =	sdelay $0x1  }
.Ltmp4:
0x80: {  	(pc) =	sbr.rel @p0 .LBB2_8-.Ltmp4, $3  }
0x81: {  	_ =	sdelay $0x1  }
0x82: {  	s26 =	sadd.s32 $0x40, s26  }
0x83: {  	s29 =	sadd.s32 $0x10, s29;
	s0 =	sand.u32 $0x1E00, s26  }
0x84: {  	_ =	sdelay $0x2  }
0x85: {  	s2 =	sand.u32 $0x70, s30;
	s0 =	sshrl.u32 s0, $0x2  }
0x86: {  	[tilespmem:v1+s28+$0x0] =	vst.idx.add.f32.msk $0xffff, v0;
	s0 =	sor.u32 s2, s0  }
0x87: {  	v1 =	vld [tilespmem:s0+$0x2800];
	_ =	sdelay $0x7  }
0x88: {  	s26 =	simm.s32 $0x0;
	s30 =	simm.s32 $0x2800;
	s31 =	simm.s32 $0x1;
	[tilespmem:v1+s28+$0x0] =	vst.idx.add.f32.msk $0xffff, v0  }
0x89: {  	[tilespmem:s30], [sflag:$0x1] =	stream.linear.gather [hbm4b:s25+s26], $0x800, $0x38;
	[tilespmem:$0x8280] =	vst v63  }
0x8a: {  	s25 =	sand.u32 $0x1E00, s26;
	_ =	swait.ge [sflag:s31], $0x800  }
0x8b: {  	s30 =	sand.u32 $0x70, s26;
	s2 =	sshrl.u32 s25, $0x2;
	[sflag:s31] =	ssyncset.done $0x0  }
0x8c: {  	[sflag:s31] =	ssyncadd.s32 $0xFFFFF800;
	s31 =	sor.u32 s30, s2  }
0x8d: {  	v1 =	vld [tilespmem:s31+$0x2800];
	_ =	sdelay $0x4  }
0x8e: {  	s25 =	simm.s32 $0x40  }
0x8f: {  	s29 =	simm.s32 $0x10;
	v0 =	vimm.f32 $1.000000000e+00;
	s28 =	simm.s32 $0x20;
	s0 =	sand.u32 $0x1E00, s25  }
.LBB2_10:
0x90: {  	p0 =	sne.s32 s28, $0x7F0;
	s2 =	sand.u32 $0x70, s29;
	s0 =	sshrl.u32 s0, $0x2  }
0x91: {  	s29 =	smov.u32 s28;
	s0 =	sor.u32 s2, s0;
	[tilespmem:v1+s26+$0x0] =	vst.idx.add.f32.msk $0xffff, v0  }
0x92: {  	v1 =	vld [tilespmem:s0+$0x2800];
	_ =	sdelay $0x1  }
.Ltmp5:
0x93: {  	(pc) =	sbr.rel @p0 .LBB2_10-.Ltmp5, $3  }
0x94: {  	_ =	sdelay $0x1  }
0x95: {  	s25 =	sadd.s32 $0x40, s25  }
0x96: {  	s28 =	sadd.s32 $0x10, s28;
	s0 =	sand.u32 $0x1E00, s25  }
0x97: {  	_ =	sdelay $0x2  }
0x98: {  	s2 =	sand.u32 $0x70, s29;
	s0 =	sshrl.u32 s0, $0x2  }
0x99: {  	[tilespmem:v1+s26+$0x0] =	vst.idx.add.f32.msk $0xffff, v0;
	s0 =	sor.u32 s2, s0  }
0x9a: {  	v1 =	vld [tilespmem:s0+$0x2800];
	_ =	sdelay $0x7  }
0x9b: {  	s25 =	simm.s32 $0x0;
	s2 =	simm.s32 $0x2800;
	[tilespmem:v1+s26+$0x0] =	vst.idx.add.f32.msk $0xffff, v0;
	s26 =	simm.s32 $0x1  }
0x9c: {  	[tilespmem:s2], [sflag:$0x1] =	stream.linear.gather [hbm4b:s24+s25], $0x800, $0x38;
	[tilespmem:$0x8280] =	vst v63  }
0x9d: {  	s29 =	sand.u32 $0x1E00, s25;
	_ =	swait.ge [sflag:s26], $0x800  }
0x9e: {  	s30 =	sand.u32 $0x70, s25;
	s2 =	sshrl.u32 s29, $0x2;
	[sflag:s26] =	ssyncset.done $0x0  }
0x9f: {  	s31 =	sor.u32 s30, s2;
	[sflag:s26] =	ssyncadd.s32 $0xFFFFF800  }
0xa0: {  	v1 =	vld [tilespmem:s31+$0x2800];
	_ =	sdelay $0x4  }
0xa1: {  	s24 =	simm.s32 $0x40  }
0xa2: {  	s28 =	simm.s32 $0x10;
	v0 =	vimm.f32 $1.000000000e+00;
	s0 =	sand.u32 $0x1E00, s24;
	s26 =	simm.s32 $0x20  }
.LBB2_12:
0xa3: {  	p0 =	sne.s32 s26, $0x7F0;
	s2 =	sand.u32 $0x70, s28;
	s0 =	sshrl.u32 s0, $0x2  }
0xa4: {  	s28 =	smov.u32 s26;
	s0 =	sor.u32 s2, s0;
	[tilespmem:v1+s25+$0x0] =	vst.idx.add.f32.msk $0xffff, v0  }
0xa5: {  	v1 =	vld [tilespmem:s0+$0x2800];
	_ =	sdelay $0x1  }
.Ltmp6:
0xa6: {  	(pc) =	sbr.rel @p0 .LBB2_12-.Ltmp6, $3  }
0xa7: {  	_ =	sdelay $0x1  }
0xa8: {  	s24 =	sadd.s32 $0x40, s24  }
0xa9: {  	s26 =	sadd.s32 $0x10, s26;
	s0 =	sand.u32 $0x1E00, s24  }
0xaa: {  	_ =	sdelay $0x2  }
0xab: {  	s2 =	sand.u32 $0x70, s28;
	s0 =	sshrl.u32 s0, $0x2  }
0xac: {  	[tilespmem:v1+s25+$0x0] =	vst.idx.add.f32.msk $0xffff, v0;
	s0 =	sor.u32 s2, s0  }
0xad: {  	v1 =	vld [tilespmem:s0+$0x2800];
	_ =	sdelay $0x7  }
0xae: {  	s24 =	simm.s32 $0x0;
	s2 =	simm.s32 $0x80;
	[tilespmem:v1+s25+$0x0] =	vst.idx.add.f32.msk $0xffff, v0;
	s25 =	simm.s32 $0x400  }
0xaf: {  	[spmem:s15] =	stream.strided.scatter [tilespmem:s24], [sflag:$0x1], $0x2800, s25, s2, $0x38;
	[tilespmem:$0x8280] =	vst v63  }
0xb0: {  	s15 =	simm.s32 $0x1  }
0xb1: {  	_ =	swait.ge [sflag:s15], $0x2800  }
0xb2: {  	[sflag:s15] =	ssyncset.done $0x0  }
0xb3: {  	[sflag:s15] =	ssyncadd.s32 $0xFFFFD800  }
0xb4: {  	s26 =	simm.s32 $0x3000;
	[bflag:$0x0] =	sbarrier.arrive $0xFFFF  }
0xb5: {  	[tilespmem:s26], [sflag:$0x1] =	stream.linear.gather [spmem:s10], $0x80, $0x38;
	[tilespmem:$0x8280] =	vst v63  }
0xb6: {  	s28 =	simm.s32 $0x3400  }
0xb7: {  	[tilespmem:s28], [sflag:$0x1] =	stream.linear.gather [spmem:s23], $0x80, $0x38;
	[tilespmem:$0x8280] =	vst v63  }
0xb8: {  	s29 =	simm.s32 $0x3800  }
0xb9: {  	[tilespmem:s29], [sflag:$0x1] =	stream.linear.gather [spmem:s22], $0x80, $0x38;
	[tilespmem:$0x8280] =	vst v63  }
0xba: {  	s30 =	simm.s32 $0x3C00  }
0xbb: {  	[tilespmem:s30], [sflag:$0x1] =	stream.linear.gather [spmem:s21], $0x80, $0x38;
	[tilespmem:$0x8280] =	vst v63  }
0xbc: {  	s31 =	simm.s32 $0x4000  }
0xbd: {  	[tilespmem:s31], [sflag:$0x1] =	stream.linear.gather [spmem:s20], $0x80, $0x38;
	[tilespmem:$0x8280] =	vst v63  }
0xbe: {  	_ =	swait.ge [sflag:s15], $0x280  }
0xbf: {  	[sflag:s15] =	ssyncset.done $0x0  }
0xc0: {  	s2 =	simm.s32 $0x3080;
	[sflag:s15] =	ssyncadd.s32 $0xFFFFFD80  }
0xc1: {  	[tilespmem:s2], [sflag:$0x1] =	stream.linear.gather [spmem:s5], $0x80, $0x38;
	[tilespmem:$0x8280] =	vst v63  }
0xc2: {  	s10 =	simm.s32 $0x3480  }
0xc3: {  	[tilespmem:s10], [sflag:$0x1] =	stream.linear.gather [spmem:s19], $0x80, $0x38;
	[tilespmem:$0x8280] =	vst v63  }
0xc4: {  	s19 =	simm.s32 $0x3880  }
0xc5: {  	[tilespmem:s19], [sflag:$0x1] =	stream.linear.gather [spmem:s18], $0x80, $0x38;
	[tilespmem:$0x8280] =	vst v63  }
0xc6: {  	s20 =	simm.s32 $0x3C80  }
0xc7: {  	[tilespmem:s20], [sflag:$0x1] =	stream.linear.gather [spmem:s17], $0x80, $0x38;
	[tilespmem:$0x8280] =	vst v63  }
0xc8: {  	s21 =	simm.s32 $0x4080  }
0xc9: {  	[tilespmem:s21], [sflag:$0x1] =	stream.linear.gather [spmem:s16], $0x80, $0x38;
	[tilespmem:$0x8280] =	vst v63  }
0xca: {  	_ =	swait.ge [sflag:s15], $0x280  }
0xcb: {  	s23 =	sld [smem:$0x7DD]  }
0xcc: {  	[sflag:s15] =	ssyncset.done $0x0  }
0xcd: {  	s22 =	simm.s32 $0x3100;
	[sflag:s15] =	ssyncadd.s32 $0xFFFFFD80  }
0xce: {  	[tilespmem:s22], [sflag:$0x1] =	stream.linear.gather [spmem:s23], $0x80, $0x38;
	[tilespmem:$0x8280] =	vst v63  }
0xcf: {  	s25 =	simm.s32 $0x3500  }
0xd0: {  	[tilespmem:s25], [sflag:$0x1] =	stream.linear.gather [spmem:s14], $0x80, $0x38;
	[tilespmem:$0x8280] =	vst v63  }
0xd1: {  	s26 =	simm.s32 $0x3900  }
0xd2: {  	[tilespmem:s26], [sflag:$0x1] =	stream.linear.gather [spmem:s13], $0x80, $0x38;
	[tilespmem:$0x8280] =	vst v63  }
0xd3: {  	s28 =	simm.s32 $0x3D00  }
0xd4: {  	[tilespmem:s28], [sflag:$0x1] =	stream.linear.gather [spmem:s12], $0x80, $0x38;
	[tilespmem:$0x8280] =	vst v63  }
0xd5: {  	s29 =	simm.s32 $0x4100  }
0xd6: {  	[tilespmem:s29], [sflag:$0x1] =	stream.linear.gather [spmem:s11], $0x80, $0x38;
	[tilespmem:$0x8280] =	vst v63  }
0xd7: {  	_ =	swait.ge [sflag:s15], $0x280  }
0xd8: {  	s31 =	sld [smem:$0x7DE]  }
0xd9: {  	[sflag:s15] =	ssyncset.done $0x0  }
0xda: {  	s30 =	simm.s32 $0x3180;
	[sflag:s15] =	ssyncadd.s32 $0xFFFFFD80  }
0xdb: {  	[tilespmem:s30], [sflag:$0x1] =	stream.linear.gather [spmem:s31], $0x80, $0x38;
	[tilespmem:$0x8280] =	vst v63  }
0xdc: {  	s2 =	simm.s32 $0x3580  }
0xdd: {  	[tilespmem:s2], [sflag:$0x1] =	stream.linear.gather [spmem:s9], $0x80, $0x38;
	[tilespmem:$0x8280] =	vst v63  }
0xde: {  	s5 =	simm.s32 $0x3980  }
0xdf: {  	[tilespmem:s5], [sflag:$0x1] =	stream.linear.gather [spmem:s8], $0x80, $0x38;
	[tilespmem:$0x8280] =	vst v63  }
0xe0: {  	s9 =	simm.s32 $0x3D80  }
0xe1: {  	[tilespmem:s9], [sflag:$0x1] =	stream.linear.gather [spmem:s7], $0x80, $0x38;
	[tilespmem:$0x8280] =	vst v63  }
0xe2: {  	s10 =	simm.s32 $0x4180  }
0xe3: {  	[tilespmem:s10], [sflag:$0x1] =	stream.linear.gather [spmem:s6], $0x80, $0x38;
	[tilespmem:$0x8280] =	vst v63  }
0xe4: {  	_ =	swait.ge [sflag:s15], $0x280  }
0xe5: {  	s12 =	sld [smem:$0x7DF]  }
0xe6: {  	[sflag:s15] =	ssyncset.done $0x0  }
0xe7: {  	s11 =	simm.s32 $0x3200;
	[sflag:s15] =	ssyncadd.s32 $0xFFFFFD80  }
0xe8: {  	[tilespmem:s11], [sflag:$0x1] =	stream.linear.gather [spmem:s12], $0x80, $0x38;
	[tilespmem:$0x8280] =	vst v63  }
0xe9: {  	s13 =	simm.s32 $0x3600  }
0xea: {  	[tilespmem:s13], [sflag:$0x1] =	stream.linear.gather [spmem:s4], $0x80, $0x38;
	[tilespmem:$0x8280] =	vst v63  }
0xeb: {  	s14 =	simm.s32 $0x3A00;
	s17 =	sld [smem:$0x7E2]  }
0xec: {  	[tilespmem:s14], [sflag:$0x1] =	stream.linear.gather [spmem:s3], $0x80, $0x38;
	[tilespmem:$0x8280] =	vst v63  }
0xed: {  	s16 =	simm.s32 $0x3E00;
	s19 =	sld [smem:$0x7E3]  }
0xee: {  	[tilespmem:s16], [sflag:$0x1] =	stream.linear.gather [spmem:s17], $0x80, $0x38;
	[tilespmem:$0x8280] =	vst v63  }
0xef: {  	s18 =	simm.s32 $0x4200  }
0xf0: {  	[tilespmem:s18], [sflag:$0x1] =	stream.linear.gather [spmem:s19], $0x80, $0x38;
	[tilespmem:$0x8280] =	vst v63  }
0xf1: {  	_ =	swait.ge [sflag:s15], $0x280  }
0xf2: {  	s21 =	sld [smem:$0x7E0]  }
0xf3: {  	[sflag:s15] =	ssyncset.done $0x0  }
0xf4: {  	s20 =	simm.s32 $0x3280;
	s23 =	sld [smem:$0x7E4];
	[sflag:s15] =	ssyncadd.s32 $0xFFFFFD80  }
0xf5: {  	[tilespmem:s20], [sflag:$0x1] =	stream.linear.gather [spmem:s21], $0x80, $0x38;
	[tilespmem:$0x8280] =	vst v63  }
0xf6: {  	s22 =	simm.s32 $0x3680;
	s26 =	sld [smem:$0x7E5]  }
0xf7: {  	[tilespmem:s22], [sflag:$0x1] =	stream.linear.gather [spmem:s23], $0x80, $0x38;
	[tilespmem:$0x8280] =	vst v63  }
0xf8: {  	s25 =	simm.s32 $0x3A80;
	s29 =	sld [smem:$0x7E6]  }
0xf9: {  	[tilespmem:s25], [sflag:$0x1] =	stream.linear.gather [spmem:s26], $0x80, $0x38;
	[tilespmem:$0x8280] =	vst v63  }
0xfa: {  	s28 =	simm.s32 $0x3E80;
	s31 =	sld [smem:$0x7E7]  }
0xfb: {  	[tilespmem:s28], [sflag:$0x1] =	stream.linear.gather [spmem:s29], $0x80, $0x38;
	[tilespmem:$0x8280] =	vst v63  }
0xfc: {  	s30 =	simm.s32 $0x4280  }
0xfd: {  	[tilespmem:s30], [sflag:$0x1] =	stream.linear.gather [spmem:s31], $0x80, $0x38;
	[tilespmem:$0x8280] =	vst v63  }
0xfe: {  	_ =	swait.ge [sflag:s15], $0x280  }
0xff: {  	s4 =	sld [smem:$0x7E1]  }
0x100: {  	[sflag:s15] =	ssyncset.done $0x0  }
0x101: {  	s3 =	simm.s32 $0x3300;
	s6 =	sld [smem:$0x7E8];
	[sflag:s15] =	ssyncadd.s32 $0xFFFFFD80  }
0x102: {  	[tilespmem:s3], [sflag:$0x1] =	stream.linear.gather [spmem:s4], $0x80, $0x38;
	[tilespmem:$0x8280] =	vst v63  }
0x103: {  	s5 =	simm.s32 $0x3700;
	s8 =	sld [smem:$0x7E9]  }
0x104: {  	[tilespmem:s5], [sflag:$0x1] =	stream.linear.gather [spmem:s6], $0x80, $0x38;
	[tilespmem:$0x8280] =	vst v63  }
0x105: {  	s7 =	simm.s32 $0x3B00;
	s10 =	sld [smem:$0x7EA]  }
0x106: {  	[tilespmem:s7], [sflag:$0x1] =	stream.linear.gather [spmem:s8], $0x80, $0x38;
	[tilespmem:$0x8280] =	vst v63  }
0x107: {  	s9 =	simm.s32 $0x3F00;
	s12 =	sld [smem:$0x7EB]  }
0x108: {  	[tilespmem:s9], [sflag:$0x1] =	stream.linear.gather [spmem:s10], $0x80, $0x38;
	[tilespmem:$0x8280] =	vst v63  }
0x109: {  	s11 =	simm.s32 $0x4300  }
0x10a: {  	[tilespmem:s11], [sflag:$0x1] =	stream.linear.gather [spmem:s12], $0x80, $0x38;
	[tilespmem:$0x8280] =	vst v63  }
0x10b: {  	_ =	swait.ge [sflag:s15], $0x280  }
0x10c: {  	[sflag:s15] =	ssyncset.done $0x0;
	s14 =	rddreg [dreg:$0x1d]  }
0x10d: {  	s13 =	simm.s32 $0x3380;
	s17 =	sld [smem:$0x7EC];
	[sflag:s15] =	ssyncadd.s32 $0xFFFFFD80  }
0x10e: {  	[tilespmem:s13], [sflag:$0x1] =	stream.linear.gather [spmem:s14], $0x80, $0x38;
	[tilespmem:$0x8280] =	vst v63  }
0x10f: {  	s16 =	simm.s32 $0x3780;
	s19 =	sld [smem:$0x7ED]  }
0x110: {  	[tilespmem:s16], [sflag:$0x1] =	stream.linear.gather [spmem:s17], $0x80, $0x38;
	[tilespmem:$0x8280] =	vst v63  }
0x111: {  	s18 =	simm.s32 $0x3B80;
	s21 =	sld [smem:$0x7EE]  }
0x112: {  	[tilespmem:s18], [sflag:$0x1] =	stream.linear.gather [spmem:s19], $0x80, $0x38;
	[tilespmem:$0x8280] =	vst v63  }
0x113: {  	s20 =	simm.s32 $0x3F80;
	s23 =	sld [smem:$0x7EF]  }
0x114: {  	[tilespmem:s20], [sflag:$0x1] =	stream.linear.gather [spmem:s21], $0x80, $0x38;
	[tilespmem:$0x8280] =	vst v63  }
0x115: {  	s22 =	simm.s32 $0x4380  }
0x116: {  	[tilespmem:s22], [sflag:$0x1] =	stream.linear.gather [spmem:s23], $0x80, $0x38;
	[tilespmem:$0x8280] =	vst v63  }
0x117: {  	_ =	swait.ge [sflag:s15], $0x280  }
0x118: {  	[sflag:s15] =	ssyncset.done $0x0;
	s26 =	rddreg [dreg:$0x15]  }
0x119: {  	s25 =	simm.s32 $0x4400;
	s29 =	sld [smem:$0x7F0];
	[sflag:s15] =	ssyncadd.s32 $0xFFFFFD80  }
0x11a: {  	[tilespmem:s25], [sflag:$0x1] =	stream.linear.gather [spmem:s26], $0x80, $0x38;
	[tilespmem:$0x8280] =	vst v63  }
0x11b: {  	s28 =	simm.s32 $0x4800;
	s31 =	sld [smem:$0x7F1]  }
0x11c: {  	[tilespmem:s28], [sflag:$0x1] =	stream.linear.gather [spmem:s29], $0x80, $0x38;
	[tilespmem:$0x8280] =	vst v63  }
0x11d: {  	s30 =	simm.s32 $0x4C00;
	s4 =	sld [smem:$0x7F2]  }
0x11e: {  	[tilespmem:s30], [sflag:$0x1] =	stream.linear.gather [spmem:s31], $0x80, $0x38;
	[tilespmem:$0x8280] =	vst v63  }
0x11f: {  	s3 =	simm.s32 $0x5000;
	s6 =	sld [smem:$0x7F3]  }
0x120: {  	[tilespmem:s3], [sflag:$0x1] =	stream.linear.gather [spmem:s4], $0x80, $0x38;
	[tilespmem:$0x8280] =	vst v63  }
0x121: {  	s5 =	simm.s32 $0x5400  }
0x122: {  	[tilespmem:s5], [sflag:$0x1] =	stream.linear.gather [spmem:s6], $0x80, $0x38;
	[tilespmem:$0x8280] =	vst v63  }
0x123: {  	_ =	swait.ge [sflag:s15], $0x280  }
0x124: {  	[sflag:s15] =	ssyncset.done $0x0;
	s8 =	rddreg [dreg:$0xf]  }
0x125: {  	s7 =	simm.s32 $0x4480;
	s10 =	sld [smem:$0x7F4];
	[sflag:s15] =	ssyncadd.s32 $0xFFFFFD80  }
0x126: {  	[tilespmem:s7], [sflag:$0x1] =	stream.linear.gather [spmem:s8], $0x80, $0x38;
	[tilespmem:$0x8280] =	vst v63  }
0x127: {  	s9 =	simm.s32 $0x4880;
	s12 =	sld [smem:$0x7F5]  }
0x128: {  	[tilespmem:s9], [sflag:$0x1] =	stream.linear.gather [spmem:s10], $0x80, $0x38;
	[tilespmem:$0x8280] =	vst v63  }
0x129: {  	s11 =	simm.s32 $0x4C80;
	s14 =	sld [smem:$0x7F6]  }
0x12a: {  	[tilespmem:s11], [sflag:$0x1] =	stream.linear.gather [spmem:s12], $0x80, $0x38;
	[tilespmem:$0x8280] =	vst v63  }
0x12b: {  	s13 =	simm.s32 $0x5080;
	s17 =	sld [smem:$0x7F7]  }
0x12c: {  	[tilespmem:s13], [sflag:$0x1] =	stream.linear.gather [spmem:s14], $0x80, $0x38;
	[tilespmem:$0x8280] =	vst v63  }
0x12d: {  	s16 =	simm.s32 $0x5480  }
0x12e: {  	[tilespmem:s16], [sflag:$0x1] =	stream.linear.gather [spmem:s17], $0x80, $0x38;
	[tilespmem:$0x8280] =	vst v63  }
0x12f: {  	_ =	swait.ge [sflag:s15], $0x280  }
0x130: {  	[sflag:s15] =	ssyncset.done $0x0;
	s19 =	rddreg [dreg:$0xa]  }
0x131: {  	s18 =	simm.s32 $0x4500;
	s21 =	sld [smem:$0x7F8];
	[sflag:s15] =	ssyncadd.s32 $0xFFFFFD80  }
0x132: {  	[tilespmem:s18], [sflag:$0x1] =	stream.linear.gather [spmem:s19], $0x80, $0x38;
	[tilespmem:$0x8280] =	vst v63  }
0x133: {  	s20 =	simm.s32 $0x4900;
	s23 =	sld [smem:$0x7F9]  }
0x134: {  	[tilespmem:s20], [sflag:$0x1] =	stream.linear.gather [spmem:s21], $0x80, $0x38;
	[tilespmem:$0x8280] =	vst v63  }
0x135: {  	s22 =	simm.s32 $0x4D00;
	s26 =	sld [smem:$0x7FA]  }
0x136: {  	[tilespmem:s22], [sflag:$0x1] =	stream.linear.gather [spmem:s23], $0x80, $0x38;
	[tilespmem:$0x8280] =	vst v63  }
0x137: {  	s25 =	simm.s32 $0x5100;
	s29 =	sld [smem:$0x7FB]  }
0x138: {  	[tilespmem:s25], [sflag:$0x1] =	stream.linear.gather [spmem:s26], $0x80, $0x38;
	[tilespmem:$0x8280] =	vst v63  }
0x139: {  	s28 =	simm.s32 $0x5500  }
0x13a: {  	[tilespmem:s28], [sflag:$0x1] =	stream.linear.gather [spmem:s29], $0x80, $0x38;
	[tilespmem:$0x8280] =	vst v63  }
0x13b: {  	_ =	swait.ge [sflag:s15], $0x280  }
0x13c: {  	[sflag:s15] =	ssyncset.done $0x0;
	s31 =	rddreg [dreg:$0x9]  }
0x13d: {  	s30 =	simm.s32 $0x4580;
	s4 =	sld [smem:$0x7FC];
	[sflag:s15] =	ssyncadd.s32 $0xFFFFFD80  }
0x13e: {  	[tilespmem:s30], [sflag:$0x1] =	stream.linear.gather [spmem:s31], $0x80, $0x38;
	[tilespmem:$0x8280] =	vst v63  }
0x13f: {  	s3 =	simm.s32 $0x4980;
	s6 =	sld [smem:$0x7FD]  }
0x140: {  	[tilespmem:s3], [sflag:$0x1] =	stream.linear.gather [spmem:s4], $0x80, $0x38;
	[tilespmem:$0x8280] =	vst v63  }
0x141: {  	s5 =	simm.s32 $0x4D80  }
0x142: {  	[tilespmem:s5], [sflag:$0x1] =	stream.linear.gather [spmem:s6], $0x80, $0x38;
	[tilespmem:$0x8280] =	vst v63  }
0x143: {  	s7 =	simm.s32 $0x5180;
	s8 =	rddreg [dreg:$0x1f]  }
0x144: {  	[tilespmem:s7], [sflag:$0x1] =	stream.linear.gather [spmem:s8], $0x80, $0x38;
	[tilespmem:$0x8280] =	vst v63  }
0x145: {  	s9 =	simm.s32 $0x5580;
	s10 =	rddreg [dreg:$0x1e]  }
0x146: {  	[tilespmem:s9], [sflag:$0x1] =	stream.linear.gather [spmem:s10], $0x80, $0x38;
	[tilespmem:$0x8280] =	vst v63  }
0x147: {  	_ =	swait.ge [sflag:s15], $0x280  }
0x148: {  	[sflag:s15] =	ssyncset.done $0x0  }
0x149: {  	s11 =	simm.s32 $0x4600;
	s12 =	rddreg [dreg:$0x8];
	[sflag:s15] =	ssyncadd.s32 $0xFFFFFD80  }
0x14a: {  	[tilespmem:s11], [sflag:$0x1] =	stream.linear.gather [spmem:s12], $0x80, $0x38;
	[tilespmem:$0x8280] =	vst v63  }
0x14b: {  	s13 =	simm.s32 $0x4A00;
	s14 =	rddreg [dreg:$0x1c]  }
0x14c: {  	[tilespmem:s13], [sflag:$0x1] =	stream.linear.gather [spmem:s14], $0x80, $0x38;
	[tilespmem:$0x8280] =	vst v63  }
0x14d: {  	s16 =	simm.s32 $0x4E00;
	s17 =	rddreg [dreg:$0x1b]  }
0x14e: {  	[tilespmem:s16], [sflag:$0x1] =	stream.linear.gather [spmem:s17], $0x80, $0x38;
	[tilespmem:$0x8280] =	vst v63  }
0x14f: {  	s18 =	simm.s32 $0x5200;
	s19 =	rddreg [dreg:$0x1a]  }
0x150: {  	[tilespmem:s18], [sflag:$0x1] =	stream.linear.gather [spmem:s19], $0x80, $0x38;
	[tilespmem:$0x8280] =	vst v63  }
0x151: {  	s20 =	simm.s32 $0x5600;
	s21 =	rddreg [dreg:$0x19]  }
0x152: {  	[tilespmem:s20], [sflag:$0x1] =	stream.linear.gather [spmem:s21], $0x80, $0x38;
	[tilespmem:$0x8280] =	vst v63  }
0x153: {  	_ =	swait.ge [sflag:s15], $0x280  }
0x154: {  	[sflag:s15] =	ssyncset.done $0x0  }
0x155: {  	s22 =	simm.s32 $0x4680;
	s23 =	rddreg [dreg:$0x7];
	[sflag:s15] =	ssyncadd.s32 $0xFFFFFD80  }
0x156: {  	[tilespmem:s22], [sflag:$0x1] =	stream.linear.gather [spmem:s23], $0x80, $0x38;
	[tilespmem:$0x8280] =	vst v63  }
0x157: {  	s25 =	simm.s32 $0x4A80;
	s26 =	rddreg [dreg:$0x18]  }
0x158: {  	[tilespmem:s25], [sflag:$0x1] =	stream.linear.gather [spmem:s26], $0x80, $0x38;
	[tilespmem:$0x8280] =	vst v63  }
0x159: {  	s28 =	simm.s32 $0x4E80;
	s29 =	rddreg [dreg:$0x17]  }
0x15a: {  	[tilespmem:s28], [sflag:$0x1] =	stream.linear.gather [spmem:s29], $0x80, $0x38;
	[tilespmem:$0x8280] =	vst v63  }
0x15b: {  	s30 =	simm.s32 $0x5280;
	s31 =	rddreg [dreg:$0x16]  }
0x15c: {  	[tilespmem:s30], [sflag:$0x1] =	stream.linear.gather [spmem:s31], $0x80, $0x38;
	[tilespmem:$0x8280] =	vst v63  }
0x15d: {  	s3 =	simm.s32 $0x5680;
	s4 =	rddreg [dreg:$0x14]  }
0x15e: {  	[tilespmem:s3], [sflag:$0x1] =	stream.linear.gather [spmem:s4], $0x80, $0x38;
	[tilespmem:$0x8280] =	vst v63  }
0x15f: {  	_ =	swait.ge [sflag:s15], $0x280  }
0x160: {  	[sflag:s15] =	ssyncset.done $0x0  }
0x161: {  	s5 =	simm.s32 $0x4700;
	s6 =	rddreg [dreg:$0x6];
	[sflag:s15] =	ssyncadd.s32 $0xFFFFFD80  }
0x162: {  	[tilespmem:s5], [sflag:$0x1] =	stream.linear.gather [spmem:s6], $0x80, $0x38;
	[tilespmem:$0x8280] =	vst v63  }
0x163: {  	s7 =	simm.s32 $0x4B00;
	s8 =	rddreg [dreg:$0x13]  }
0x164: {  	[tilespmem:s7], [sflag:$0x1] =	stream.linear.gather [spmem:s8], $0x80, $0x38;
	[tilespmem:$0x8280] =	vst v63  }
0x165: {  	s9 =	simm.s32 $0x4F00;
	s10 =	rddreg [dreg:$0x12]  }
0x166: {  	[tilespmem:s9], [sflag:$0x1] =	stream.linear.gather [spmem:s10], $0x80, $0x38;
	[tilespmem:$0x8280] =	vst v63  }
0x167: {  	s11 =	simm.s32 $0x5300;
	s12 =	rddreg [dreg:$0x11]  }
0x168: {  	[tilespmem:s11], [sflag:$0x1] =	stream.linear.gather [spmem:s12], $0x80, $0x38;
	[tilespmem:$0x8280] =	vst v63  }
0x169: {  	s13 =	simm.s32 $0x5700;
	s14 =	rddreg [dreg:$0x10]  }
0x16a: {  	[tilespmem:s13], [sflag:$0x1] =	stream.linear.gather [spmem:s14], $0x80, $0x38;
	[tilespmem:$0x8280] =	vst v63  }
0x16b: {  	_ =	swait.ge [sflag:s15], $0x280  }
0x16c: {  	[sflag:s15] =	ssyncset.done $0x0  }
0x16d: {  	s16 =	simm.s32 $0x4780;
	s17 =	rddreg [dreg:$0x5];
	[sflag:s15] =	ssyncadd.s32 $0xFFFFFD80  }
0x16e: {  	[tilespmem:s16], [sflag:$0x1] =	stream.linear.gather [spmem:s17], $0x80, $0x38;
	[tilespmem:$0x8280] =	vst v63  }
0x16f: {  	s18 =	simm.s32 $0x4B80;
	s19 =	rddreg [dreg:$0xe]  }
0x170: {  	[tilespmem:s18], [sflag:$0x1] =	stream.linear.gather [spmem:s19], $0x80, $0x38;
	[tilespmem:$0x8280] =	vst v63  }
0x171: {  	s20 =	simm.s32 $0x4F80;
	s21 =	rddreg [dreg:$0xd]  }
0x172: {  	[tilespmem:s20], [sflag:$0x1] =	stream.linear.gather [spmem:s21], $0x80, $0x38;
	[tilespmem:$0x8280] =	vst v63  }
0x173: {  	s22 =	simm.s32 $0x5380;
	s23 =	rddreg [dreg:$0xb]  }
0x174: {  	[tilespmem:s22], [sflag:$0x1] =	stream.linear.gather [spmem:s23], $0x80, $0x38;
	[tilespmem:$0x8280] =	vst v63  }
0x175: {  	s25 =	simm.s32 $0x5780;
	s26 =	rddreg [dreg:$0xc]  }
0x176: {  	[tilespmem:s25], [sflag:$0x1] =	stream.linear.gather [spmem:s26], $0x80, $0x38;
	[tilespmem:$0x8280] =	vst v63  }
0x177: {  	_ =	swait.ge [sflag:s15], $0x280  }
0x178: {  	s28 =	sand.u32 $0x70, s24;
	s29 =	sand.u32 $0x1C00, s24;
	[sflag:s15] =	ssyncset.done $0x0  }
0x179: {  	s0 =	sor.u32 s28, s29;
	[sflag:s15] =	ssyncadd.s32 $0xFFFFFD80  }
0x17a: {  	v50 =	vld [tilespmem:s0+$0x3080]  }
0x17b: {  	v51 =	vld [tilespmem:s0+$0x3000];
	_ =	sdelay $0x1  }
0x17c: {  	v2 =	vld [tilespmem:s0+$0x3100];
	_ =	sdelay $0x1  }
0x17d: {  	v3 =	vld [tilespmem:s0+$0x3180]  }
0x17e: {  	v0 =	vadd.f32 v50, v51  }
0x17f: {  	v52 =	vld [tilespmem:s0+$0x3200]  }
0x180: {  	v0 =	vadd.f32 v2, v0  }
0x181: {  	v53 =	vld [tilespmem:s0+$0x3280]  }
0x182: {  	v0 =	vadd.f32 v3, v0  }
0x183: {  	v54 =	vld [tilespmem:s0+$0x3300]  }
0x184: {  	v0 =	vadd.f32 v52, v0  }
0x185: {  	v55 =	vld [tilespmem:s0+$0x3380]  }
0x186: {  	v0 =	vadd.f32 v53, v0  }
0x187: {  	v56 =	vld [tilespmem:s0+$0x4400]  }
0x188: {  	v0 =	vadd.f32 v54, v0  }
0x189: {  	v57 =	vld [tilespmem:s0+$0x4480]  }
0x18a: {  	v0 =	vadd.f32 v55, v0  }
0x18b: {  	v58 =	vld [tilespmem:s0+$0x4500]  }
0x18c: {  	v0 =	vadd.f32 v56, v0  }
0x18d: {  	v59 =	vld [tilespmem:s0+$0x4580]  }
0x18e: {  	v0 =	vadd.f32 v57, v0  }
0x18f: {  	v60 =	vld [tilespmem:s0+$0x4600]  }
0x190: {  	v0 =	vadd.f32 v58, v0  }
0x191: {  	v61 =	vld [tilespmem:s0+$0x4680]  }
0x192: {  	v0 =	vadd.f32 v59, v0  }
0x193: {  	v62 =	vld [tilespmem:s0+$0x4700]  }
0x194: {  	v0 =	vadd.f32 v60, v0  }
0x195: {  	v63 =	vld [tilespmem:s0+$0x4780]  }
0x196: {  	v0 =	vadd.f32 v61, v0;
	_ =	sdelay $0x1  }
0x197: {  	v0 =	vadd.f32 v62, v0;
	_ =	sdelay $0x1  }
0x198: {  	v0 =	vadd.f32 v63, v0  }
0x199: {  	s30 =	simm.s32 $0x10;
	s3 =	simm.s32 $0x80  }
0x19a: {  	s2 =	sand.u32 $0x70, s30;
	s31 =	sand.u32 $0x1C00, s3;
	s0 =	simm.s32 $0x5800;
	v0 =	vmax.f32 v0, $1.000000000e+00  }
0x19b: {  	s4 =	simm.s32 $0x20;
	s2 =	sor.u32 s2, s31;
	[tilespmem:s0+$0x0] =	vst v0  }
.LBB2_14:
0x19c: {  	p0 =	sne.s32 s4, $0x270;
	v0 =	vld [tilespmem:s2+$0x3080]  }
0x19d: {  	v1 =	vld [tilespmem:s2+$0x3000];
	_ =	sdelay $0x1  }
0x19e: {  	v2 =	vld [tilespmem:s2+$0x3100];
	_ =	sdelay $0x1  }
0x19f: {  	v3 =	vld [tilespmem:s2+$0x3180]  }
0x1a0: {  	v0 =	vadd.f32 v0, v1  }
0x1a1: {  	v1 =	vld [tilespmem:s2+$0x3200]  }
0x1a2: {  	v0 =	vadd.f32 v2, v0  }
0x1a3: {  	v2 =	vld [tilespmem:s2+$0x3280]  }
0x1a4: {  	v0 =	vadd.f32 v3, v0  }
0x1a5: {  	v3 =	vld [tilespmem:s2+$0x3300]  }
0x1a6: {  	v0 =	vadd.f32 v1, v0  }
0x1a7: {  	v1 =	vld [tilespmem:s2+$0x3380]  }
0x1a8: {  	v0 =	vadd.f32 v2, v0  }
0x1a9: {  	v2 =	vld [tilespmem:s2+$0x4400]  }
0x1aa: {  	v0 =	vadd.f32 v3, v0  }
0x1ab: {  	v3 =	vld [tilespmem:s2+$0x4480]  }
0x1ac: {  	v0 =	vadd.f32 v1, v0  }
0x1ad: {  	v1 =	vld [tilespmem:s2+$0x4500]  }
0x1ae: {  	v0 =	vadd.f32 v2, v0  }
0x1af: {  	v2 =	vld [tilespmem:s2+$0x4580]  }
0x1b0: {  	v0 =	vadd.f32 v3, v0  }
0x1b1: {  	v3 =	vld [tilespmem:s2+$0x4600]  }
0x1b2: {  	v0 =	vadd.f32 v1, v0  }
0x1b3: {  	v1 =	vld [tilespmem:s2+$0x4680]  }
0x1b4: {  	v0 =	vadd.f32 v2, v0  }
0x1b5: {  	v2 =	vld [tilespmem:s2+$0x4700]  }
0x1b6: {  	v0 =	vadd.f32 v3, v0  }
0x1b7: {  	v3 =	vld [tilespmem:s2+$0x4780]  }
0x1b8: {  	v0 =	vadd.f32 v1, v0;
	_ =	sdelay $0x1  }
0x1b9: {  	v0 =	vadd.f32 v2, v0  }
.Ltmp7:
0x1ba: {  	(pc) =	sbr.rel @p0 .LBB2_14-.Ltmp7, $4  }
0x1bb: {  	v0 =	vadd.f32 v3, v0  }
0x1bc: {  	s3 =	sadd.s32 $0x80, s3  }
0x1bd: {  	s0 =	sadd.s32 $0x10, s0;
	s5 =	sand.u32 $0x1C00, s3;
	s2 =	sand.u32 $0x70, s4;
	v0 =	vmax.f32 v0, $1.000000000e+00  }
0x1be: {  	s4 =	sadd.s32 $0x10, s4;
	s2 =	sor.u32 s2, s5;
	[tilespmem:s0+$0x0] =	vst v0  }
0x1bf: {  	v0 =	vld [tilespmem:s2+$0x3080]  }
0x1c0: {  	v1 =	vld [tilespmem:s2+$0x3000];
	_ =	sdelay $0x1  }
0x1c1: {  	v2 =	vld [tilespmem:s2+$0x3100];
	_ =	sdelay $0x1  }
0x1c2: {  	v3 =	vld [tilespmem:s2+$0x3180]  }
0x1c3: {  	v0 =	vadd.f32 v0, v1  }
0x1c4: {  	v52 =	vld [tilespmem:s2+$0x3200]  }
0x1c5: {  	v0 =	vadd.f32 v2, v0  }
0x1c6: {  	v53 =	vld [tilespmem:s2+$0x3280]  }
0x1c7: {  	v0 =	vadd.f32 v3, v0  }
0x1c8: {  	v54 =	vld [tilespmem:s2+$0x3300]  }
0x1c9: {  	v0 =	vadd.f32 v52, v0  }
0x1ca: {  	v55 =	vld [tilespmem:s2+$0x3380]  }
0x1cb: {  	v0 =	vadd.f32 v53, v0  }
0x1cc: {  	v56 =	vld [tilespmem:s2+$0x4400]  }
0x1cd: {  	v0 =	vadd.f32 v54, v0  }
0x1ce: {  	v57 =	vld [tilespmem:s2+$0x4480]  }
0x1cf: {  	v0 =	vadd.f32 v55, v0  }
0x1d0: {  	v58 =	vld [tilespmem:s2+$0x4500]  }
0x1d1: {  	v0 =	vadd.f32 v56, v0  }
0x1d2: {  	v59 =	vld [tilespmem:s2+$0x4580]  }
0x1d3: {  	v0 =	vadd.f32 v57, v0  }
0x1d4: {  	v60 =	vld [tilespmem:s2+$0x4600]  }
0x1d5: {  	v0 =	vadd.f32 v58, v0  }
0x1d6: {  	v61 =	vld [tilespmem:s2+$0x4680]  }
0x1d7: {  	v0 =	vadd.f32 v59, v0  }
0x1d8: {  	v62 =	vld [tilespmem:s2+$0x4700]  }
0x1d9: {  	v0 =	vadd.f32 v60, v0  }
0x1da: {  	v63 =	vld [tilespmem:s2+$0x4780]  }
0x1db: {  	v0 =	vadd.f32 v61, v0;
	_ =	sdelay $0x1  }
0x1dc: {  	v0 =	vadd.f32 v62, v0;
	_ =	sdelay $0x1  }
0x1dd: {  	v0 =	vadd.f32 v63, v0;
	_ =	sdelay $0x1  }
0x1de: {  	s0 =	sadd.s32 $0x10, s0;
	s29 =	simm.s32 $0x0;
	v0 =	vmax.f32 v0, $1.000000000e+00  }
0x1df: {  	s30 =	simm.s32 $0x5800;
	s3 =	rddreg [dreg:$0x4];
	s31 =	simm.s32 $0x1;
	[tilespmem:s0+$0x0] =	vst v0  }
0x1e0: {  	[hbm4b:s3+s29] =	stream.linear.scatter [tilespmem:s30], [sflag:$0x1], $0x280, $0x38;
	[tilespmem:$0x8280] =	vst v63  }
0x1e1: {  	_ =	swait.ge [sflag:s31], $0x280  }
0x1e2: {  	[sflag:s31] =	ssyncset.done $0x0  }
0x1e3: {  	[sflag:s31] =	ssyncadd.s32 $0xFFFFFD80  }
0x1e4: {  	s5 =	rddreg [dreg:$0x3]  }
.LBB2_16:
0x1e5: {  	_ =	sfence.sel $0x180000  }
0x1e6: {  	[bflag:$0x0] =	sbarrier.arrive $0xFFFF  }
0x1e7: {  	p0 =	sne.s32 s1, $0x0;
	_ =	strace $0x90000047  }
0x1e8: {  	s0 =	sadd.s32 @!p0 $0x100000, s5;
	[bflag:$0x2] =	sbarrier.arrive $0xFFFF  }
0x1e9: {  	[sflag:s0] =	ssyncadd.tile.s32 @!p0 $0x1;
	_ =	shalt  }
.Lfunc_end2:
_tile_overlayer_lowered:
.L_overlay_start_2:
0x1ea: {  	(tag) =	ssettag $0x2  }
0x1eb: {  	s0 =	rddreg [dreg:$0x0];
	s2 =	stileid.u32  }
0x1ec: {  	s1 =	rddreg [dreg:$0x1];
	p0 =	sne.s32 s2, $0x0  }
0x1ed: {  	s3 =	rddreg [dreg:$0x2];
	[bflag:$0x3] =	sbarrier.arrive $0xFFFF;
	s2 =	simm.s32 @!p0 $0x1C01  }
0x1ee: {  	[timem:s3], [sflag:s2] =	dma.local @!p0 [hbm:s0], s1  }
0x1ef: {  	s0 =	simm.s32 @!p0 $0x1  }
0x1f0: {  	_ =	swait.ge @!p0 [sflag:s0], s1  }
0x1f1: {  	s1 =	ssub.s32 @!p0 $0x0, s1;
	[sflag:s0] =	ssyncset.done @!p0 $0x0  }
0x1f2: {  	[sflag:s0] =	ssyncadd.s32 @!p0 s1  }
0x1f3: {  	[bflag:$0x3] =	sbarrier.arrive $0xFFFF  }
0x1f4: {  	_ =	shalt  }

</sc_bundles>
